<compile_context>
chip_gen: v7x
topology: tpu7x:2x2x1
jax: 0.10.2.dev20260603
libtpu: 0.0.44.dev20260713+nightly
codegen_flags: <defaults>
</compile_context>

<pallas_src>
import functools

import jax
import jax.numpy as jnp
from jax import lax
from jax.experimental import pallas as pl
from jax.experimental.pallas import tpu as pltpu
from jax.experimental.pallas import tpu_sc as plsc

ATTRS_ = (25, 6, 18, 3, 9, 6, 4, 5, 5, 3, 3, 3, 3, 3, 10)
DIMS_ = (10, 3, 9, 3, 5, 3, 2, 3, 3, 2, 2, 2, 2, 2, 5)
B_ = 16384
OUT_W = 1 + sum(DIMS_)

NW = 32
ROWS_PER_W = B_ // NW
L = 16
NBLK = ROWS_PER_W // L


def _body(xt_hbm, *refs):
    tt_hbm = refs[:15]
    out_hbm = refs[15]
    xt_v = refs[16]
    tt_v = refs[17:32]
    out_v = refs[32]
    sem = refs[33]
    sem2 = refs[34]
    sem3 = refs[35]

    wid = lax.axis_index("s") * 2 + lax.axis_index("c")
    base = wid * ROWS_PER_W
    H = ROWS_PER_W // 2
    copies = [pltpu.async_copy(tt_hbm[i], tt_v[i], sem) for i in range(15)]
    copies.append(
        pltpu.async_copy(
            xt_hbm.at[:, pl.ds(base, H)], xt_v.at[:, pl.ds(0, H)], sem
        )
    )
    x2 = pltpu.async_copy(
        xt_hbm.at[:, pl.ds(base + H, H)], xt_v.at[:, pl.ds(H, H)], sem2
    )

    dsplat = [jnp.full((L,), d, jnp.int32) for d in range(max(DIMS_))]

    def block(b, _):
        rr = b * L
        sl = pl.ds(rr, L)
        out_v[0, sl] = xt_v[0, sl]
        ridx = [None] * 16
        for j in range(1, 16):
            ridx[j] = xt_v[j, sl].astype(jnp.int32)
        c = 1
        for i in range(15):
            for d in range(DIMS_[i]):
                out_v[c, sl] = plsc.load_gather(
                    tt_v[i], [dsplat[d], ridx[i + 1]]
                )
                c += 1
        return _

    for c in copies:
        c.wait()
    lax.fori_loop(0, NBLK // 2, block, None)
    o1 = pltpu.async_copy(
        out_v.at[:, pl.ds(0, H)], out_hbm.at[:, pl.ds(base, H)], sem3
    )
    x2.wait()
    lax.fori_loop(NBLK // 2, NBLK, block, None)
    o2 = pltpu.async_copy(
        out_v.at[:, pl.ds(H, H)], out_hbm.at[:, pl.ds(base + H, H)], sem3
    )
    o1.wait()
    o2.wait()


@functools.partial(jax.jit, static_argnames=("interpret",))
def kernel(x, tables, interpret=False):
    run = pl.kernel(
        _body,
        out_type=jax.ShapeDtypeStruct((OUT_W, B_), jnp.float32),
        mesh=plsc.VectorSubcoreMesh(
            core_axis_name="c", subcore_axis_name="s",
            num_cores=2, num_subcores=16,
        ),
        scratch_types=[
            pltpu.VMEM((16, ROWS_PER_W), jnp.float32),
            *[
                pltpu.VMEM((DIMS_[i], ATTRS_[i]), jnp.float32)
                for i in range(15)
            ],
            pltpu.VMEM((OUT_W, ROWS_PER_W), jnp.float32),
            pltpu.SemaphoreType.DMA,
            pltpu.SemaphoreType.DMA,
            pltpu.SemaphoreType.DMA,
        ],
        compiler_params=pltpu.CompilerParams(
            needs_layout_passes=False, use_tc_tiling_on_sc=True
        ),
        interpret=interpret,
    )
    return run(x.T, *[t.T for t in tables]).T

# --- scband reference (transcript-rebuilt; emitter-appended) ---
"""Pipeline reference for scband-folk-embedding-52793738002776 (READ-ONLY COPY).

The authoritative reference and input builder live on the scoring server;
editing this copy changes nothing except your own understanding.
"""

import jax, jax.numpy as jnp
import numpy as np

ATTRS = [25, 6, 18, 3, 9, 6, 4, 5, 5, 3, 3, 3, 3, 3, 10]
DIMS  = [10, 3, 9, 3, 5, 3, 2, 3, 3, 2, 2, 2, 2, 2, 5]
B = 16384

def setup_inputs(seed: int = 0) -> dict:
    key = jax.random.key(seed)
    kx, kw = jax.random.split(key)
    # x: column 0 is a dense float feature, columns 1..15 are integer category ids.
    # fill_max=3 keeps indices valid for every table (min vocab size is 3).
    x_int = jax.random.randint(kx, (B, 16), 0, 3)
    x = x_int.astype(jnp.float32)
    tables = tuple(
        jax.random.normal(jax.random.fold_in(kw, i), (ATTRS[i], DIMS[i]), dtype=jnp.float32)
        for i in range(15)
    )
    return {"x": x, "tables": tables}

def reference(x, tables):
    # Faithful translation of FolkEmbedding.forward
    cols = [x[:, 0].reshape(-1, 1)]
    for i in range(15):
        idx = x[:, i + 1].astype(jnp.int32)
        cols.append(jnp.take(tables[i], idx, axis=0))
    embedded = jnp.concatenate(cols, axis=1)
    return embedded

if __name__ == "__main__":
    import jax
    _d = setup_inputs()
    print(jax.jit(kernel)(*tuple(_d.values())))

</pallas_src>

<mosaic_0001>
#map = affine_map<(d0, d1) -> (0, 0)>
module attributes {stable_mosaic.version = 14 : i64} {
  func.func @_body(%arg0: i32, %arg1: i32, %arg2: memref<16x16384xf32, #tpu.memory_space<hbm>>, %arg3: memref<10x25xf32, #tpu.memory_space<hbm>>, %arg4: memref<3x6xf32, #tpu.memory_space<hbm>>, %arg5: memref<9x18xf32, #tpu.memory_space<hbm>>, %arg6: memref<3x3xf32, #tpu.memory_space<hbm>>, %arg7: memref<5x9xf32, #tpu.memory_space<hbm>>, %arg8: memref<3x6xf32, #tpu.memory_space<hbm>>, %arg9: memref<2x4xf32, #tpu.memory_space<hbm>>, %arg10: memref<3x5xf32, #tpu.memory_space<hbm>>, %arg11: memref<3x5xf32, #tpu.memory_space<hbm>>, %arg12: memref<2x3xf32, #tpu.memory_space<hbm>>, %arg13: memref<2x3xf32, #tpu.memory_space<hbm>>, %arg14: memref<2x3xf32, #tpu.memory_space<hbm>>, %arg15: memref<2x3xf32, #tpu.memory_space<hbm>>, %arg16: memref<2x3xf32, #tpu.memory_space<hbm>>, %arg17: memref<5x10xf32, #tpu.memory_space<hbm>>, %arg18: memref<57x16384xf32, #tpu.memory_space<hbm>>, %arg19: memref<16x512xf32, #tpu.memory_space<vmem>>, %arg20: memref<10x25xf32, #tpu.memory_space<vmem>>, %arg21: memref<3x6xf32, #tpu.memory_space<vmem>>, %arg22: memref<9x18xf32, #tpu.memory_space<vmem>>, %arg23: memref<3x3xf32, #tpu.memory_space<vmem>>, %arg24: memref<5x9xf32, #tpu.memory_space<vmem>>, %arg25: memref<3x6xf32, #tpu.memory_space<vmem>>, %arg26: memref<2x4xf32, #tpu.memory_space<vmem>>, %arg27: memref<3x5xf32, #tpu.memory_space<vmem>>, %arg28: memref<3x5xf32, #tpu.memory_space<vmem>>, %arg29: memref<2x3xf32, #tpu.memory_space<vmem>>, %arg30: memref<2x3xf32, #tpu.memory_space<vmem>>, %arg31: memref<2x3xf32, #tpu.memory_space<vmem>>, %arg32: memref<2x3xf32, #tpu.memory_space<vmem>>, %arg33: memref<2x3xf32, #tpu.memory_space<vmem>>, %arg34: memref<5x10xf32, #tpu.memory_space<vmem>>, %arg35: memref<57x512xf32, #tpu.memory_space<vmem>>, %arg36: memref<!tpu.dma_semaphore, #tpu.memory_space<semaphore_mem>>, %arg37: memref<!tpu.dma_semaphore, #tpu.memory_space<semaphore_mem>>, %arg38: memref<!tpu.dma_semaphore, #tpu.memory_space<semaphore_mem>>) attributes {dimension_semantics = [#tpu.dimension_semantics<core_parallel>, #tpu.dimension_semantics<subcore_parallel>], iteration_bounds = array<i64: 2, 16>, scalar_prefetch = 0 : i64, scratch_operands = 20 : i64, tpu.core_type = #tpu.core_type<sc_vector_subcore>, window_params = [{transform_indices = #map}, {transform_indices = #map}, {transform_indices = #map}, {transform_indices = #map}, {transform_indices = #map}, {transform_indices = #map}, {transform_indices = #map}, {transform_indices = #map}, {transform_indices = #map}, {transform_indices = #map}, {transform_indices = #map}, {transform_indices = #map}, {transform_indices = #map}, {transform_indices = #map}, {transform_indices = #map}, {transform_indices = #map}, {transform_indices = #map}]} {
    %mul3A = arith.constant 2 : i32
    %mul3A_0 = arith.muli %arg1, %mul3A : i32
    %add3A = arith.addi %mul3A_0, %arg0 : i32
    %mul3A_1 = arith.constant 512 : i32
    %mul3A_2 = arith.muli %add3A, %mul3A_1 : i32
    tpu.enqueue_dma source(%arg3 : memref<10x25xf32, #tpu.memory_space<hbm>>) target(%arg20 : memref<10x25xf32, #tpu.memory_space<vmem>>) target_semaphore(%arg36 : memref<!tpu.dma_semaphore, #tpu.memory_space<semaphore_mem>>)
    tpu.enqueue_dma source(%arg4 : memref<3x6xf32, #tpu.memory_space<hbm>>) target(%arg21 : memref<3x6xf32, #tpu.memory_space<vmem>>) target_semaphore(%arg36 : memref<!tpu.dma_semaphore, #tpu.memory_space<semaphore_mem>>)
    tpu.enqueue_dma source(%arg5 : memref<9x18xf32, #tpu.memory_space<hbm>>) target(%arg22 : memref<9x18xf32, #tpu.memory_space<vmem>>) target_semaphore(%arg36 : memref<!tpu.dma_semaphore, #tpu.memory_space<semaphore_mem>>)
    tpu.enqueue_dma source(%arg6 : memref<3x3xf32, #tpu.memory_space<hbm>>) target(%arg23 : memref<3x3xf32, #tpu.memory_space<vmem>>) target_semaphore(%arg36 : memref<!tpu.dma_semaphore, #tpu.memory_space<semaphore_mem>>)
    tpu.enqueue_dma source(%arg7 : memref<5x9xf32, #tpu.memory_space<hbm>>) target(%arg24 : memref<5x9xf32, #tpu.memory_space<vmem>>) target_semaphore(%arg36 : memref<!tpu.dma_semaphore, #tpu.memory_space<semaphore_mem>>)
    tpu.enqueue_dma source(%arg8 : memref<3x6xf32, #tpu.memory_space<hbm>>) target(%arg25 : memref<3x6xf32, #tpu.memory_space<vmem>>) target_semaphore(%arg36 : memref<!tpu.dma_semaphore, #tpu.memory_space<semaphore_mem>>)
    tpu.enqueue_dma source(%arg9 : memref<2x4xf32, #tpu.memory_space<hbm>>) target(%arg26 : memref<2x4xf32, #tpu.memory_space<vmem>>) target_semaphore(%arg36 : memref<!tpu.dma_semaphore, #tpu.memory_space<semaphore_mem>>)
    tpu.enqueue_dma source(%arg10 : memref<3x5xf32, #tpu.memory_space<hbm>>) target(%arg27 : memref<3x5xf32, #tpu.memory_space<vmem>>) target_semaphore(%arg36 : memref<!tpu.dma_semaphore, #tpu.memory_space<semaphore_mem>>)
    tpu.enqueue_dma source(%arg11 : memref<3x5xf32, #tpu.memory_space<hbm>>) target(%arg28 : memref<3x5xf32, #tpu.memory_space<vmem>>) target_semaphore(%arg36 : memref<!tpu.dma_semaphore, #tpu.memory_space<semaphore_mem>>)
    tpu.enqueue_dma source(%arg12 : memref<2x3xf32, #tpu.memory_space<hbm>>) target(%arg29 : memref<2x3xf32, #tpu.memory_space<vmem>>) target_semaphore(%arg36 : memref<!tpu.dma_semaphore, #tpu.memory_space<semaphore_mem>>)
    tpu.enqueue_dma source(%arg13 : memref<2x3xf32, #tpu.memory_space<hbm>>) target(%arg30 : memref<2x3xf32, #tpu.memory_space<vmem>>) target_semaphore(%arg36 : memref<!tpu.dma_semaphore, #tpu.memory_space<semaphore_mem>>)
    tpu.enqueue_dma source(%arg14 : memref<2x3xf32, #tpu.memory_space<hbm>>) target(%arg31 : memref<2x3xf32, #tpu.memory_space<vmem>>) target_semaphore(%arg36 : memref<!tpu.dma_semaphore, #tpu.memory_space<semaphore_mem>>)
    tpu.enqueue_dma source(%arg15 : memref<2x3xf32, #tpu.memory_space<hbm>>) target(%arg32 : memref<2x3xf32, #tpu.memory_space<vmem>>) target_semaphore(%arg36 : memref<!tpu.dma_semaphore, #tpu.memory_space<semaphore_mem>>)
    tpu.enqueue_dma source(%arg16 : memref<2x3xf32, #tpu.memory_space<hbm>>) target(%arg33 : memref<2x3xf32, #tpu.memory_space<vmem>>) target_semaphore(%arg36 : memref<!tpu.dma_semaphore, #tpu.memory_space<semaphore_mem>>)
    tpu.enqueue_dma source(%arg17 : memref<5x10xf32, #tpu.memory_space<hbm>>) target(%arg34 : memref<5x10xf32, #tpu.memory_space<vmem>>) target_semaphore(%arg36 : memref<!tpu.dma_semaphore, #tpu.memory_space<semaphore_mem>>)
    %dma_start3A = arith.constant 0 : i32
    %dma_start3A_3 = arith.constant 0 : i32
    %dma_start3A_4 = tpu.memref_slice %arg19[%dma_start3A, %dma_start3A_3] : memref<16x512xf32, #tpu.memory_space<vmem>> -> memref<16x256xf32, #tpu.memory_space<vmem>>
    %dma_start3A_5 = arith.constant 0 : i32
    %dma_start3A_6 = tpu.memref_slice %arg2[%dma_start3A_5, %mul3A_2] : memref<16x16384xf32, #tpu.memory_space<hbm>> -> memref<16x256xf32, #tpu.memory_space<hbm>>
    %dma_start3A_7 = arith.constant 0 : i32
    %dma_start3A_8 = arith.constant 0 : i32
    %dma_start3A_9 = tpu.memref_slice %arg19[%dma_start3A_7, %dma_start3A_8] : memref<16x512xf32, #tpu.memory_space<vmem>> -> memref<16x256xf32, #tpu.memory_space<vmem>>
    %dma_start3A_10 = arith.constant 0 : i32
    %dma_start3A_11 = tpu.memref_slice %arg2[%dma_start3A_10, %mul3A_2] : memref<16x16384xf32, #tpu.memory_space<hbm>> -> memref<16x256xf32, #tpu.memory_space<hbm>>
    tpu.enqueue_dma source(%dma_start3A_11 : memref<16x256xf32, #tpu.memory_space<hbm>>) target(%dma_start3A_9 : memref<16x256xf32, #tpu.memory_space<vmem>>) target_semaphore(%arg36 : memref<!tpu.dma_semaphore, #tpu.memory_space<semaphore_mem>>)
    %add3A_12 = arith.constant 256 : i32
    %add3A_13 = arith.addi %mul3A_2, %add3A_12 : i32
    %dma_start3A_14 = arith.constant 0 : i32
    %dma_start3A_15 = arith.constant 256 : i32
    %dma_start3A_16 = tpu.memref_slice %arg19[%dma_start3A_14, %dma_start3A_15] : memref<16x512xf32, #tpu.memory_space<vmem>> -> memref<16x256xf32, #tpu.memory_space<vmem>>
    %dma_start3A_17 = arith.constant 0 : i32
    %dma_start3A_18 = tpu.memref_slice %arg2[%dma_start3A_17, %add3A_13] : memref<16x16384xf32, #tpu.memory_space<hbm>> -> memref<16x256xf32, #tpu.memory_space<hbm>>
    %dma_start3A_19 = arith.constant 0 : i32
    %dma_start3A_20 = arith.constant 256 : i32
    %dma_start3A_21 = tpu.memref_slice %arg19[%dma_start3A_19, %dma_start3A_20] : memref<16x512xf32, #tpu.memory_space<vmem>> -> memref<16x256xf32, #tpu.memory_space<vmem>>
    %dma_start3A_22 = arith.constant 0 : i32
    %dma_start3A_23 = tpu.memref_slice %arg2[%dma_start3A_22, %add3A_13] : memref<16x16384xf32, #tpu.memory_space<hbm>> -> memref<16x256xf32, #tpu.memory_space<hbm>>
    tpu.enqueue_dma source(%dma_start3A_23 : memref<16x256xf32, #tpu.memory_space<hbm>>) target(%dma_start3A_21 : memref<16x256xf32, #tpu.memory_space<vmem>>) target_semaphore(%arg37 : memref<!tpu.dma_semaphore, #tpu.memory_space<semaphore_mem>>)
    %broadcast_in_dim3A = arith.constant 0 : i32
    %broadcast_in_dim3A_24 = vector.broadcast %broadcast_in_dim3A : i32 to vector<16xi32>
    %broadcast_in_dim3A_25 = arith.constant 1 : i32
    %broadcast_in_dim3A_26 = vector.broadcast %broadcast_in_dim3A_25 : i32 to vector<16xi32>
    %broadcast_in_dim3A_27 = arith.constant 2 : i32
    %broadcast_in_dim3A_28 = vector.broadcast %broadcast_in_dim3A_27 : i32 to vector<16xi32>
    %broadcast_in_dim3A_29 = arith.constant 3 : i32
    %broadcast_in_dim3A_30 = vector.broadcast %broadcast_in_dim3A_29 : i32 to vector<16xi32>
    %broadcast_in_dim3A_31 = arith.constant 4 : i32
    %broadcast_in_dim3A_32 = vector.broadcast %broadcast_in_dim3A_31 : i32 to vector<16xi32>
    %broadcast_in_dim3A_33 = arith.constant 5 : i32
    %broadcast_in_dim3A_34 = vector.broadcast %broadcast_in_dim3A_33 : i32 to vector<16xi32>
    %broadcast_in_dim3A_35 = arith.constant 6 : i32
    %broadcast_in_dim3A_36 = vector.broadcast %broadcast_in_dim3A_35 : i32 to vector<16xi32>
    %broadcast_in_dim3A_37 = arith.constant 7 : i32
    %broadcast_in_dim3A_38 = vector.broadcast %broadcast_in_dim3A_37 : i32 to vector<16xi32>
    %broadcast_in_dim3A_39 = arith.constant 8 : i32
    %broadcast_in_dim3A_40 = vector.broadcast %broadcast_in_dim3A_39 : i32 to vector<16xi32>
    %broadcast_in_dim3A_41 = arith.constant 9 : i32
    %broadcast_in_dim3A_42 = vector.broadcast %broadcast_in_dim3A_41 : i32 to vector<16xi32>
    tpu.wait_dma2 semaphore(%arg36 : memref<!tpu.dma_semaphore, #tpu.memory_space<semaphore_mem>>) src(%arg3 : memref<10x25xf32, #tpu.memory_space<hbm>>) dst(%arg20 : memref<10x25xf32, #tpu.memory_space<vmem>>)
    tpu.wait_dma2 semaphore(%arg36 : memref<!tpu.dma_semaphore, #tpu.memory_space<semaphore_mem>>) src(%arg4 : memref<3x6xf32, #tpu.memory_space<hbm>>) dst(%arg21 : memref<3x6xf32, #tpu.memory_space<vmem>>)
    tpu.wait_dma2 semaphore(%arg36 : memref<!tpu.dma_semaphore, #tpu.memory_space<semaphore_mem>>) src(%arg5 : memref<9x18xf32, #tpu.memory_space<hbm>>) dst(%arg22 : memref<9x18xf32, #tpu.memory_space<vmem>>)
    tpu.wait_dma2 semaphore(%arg36 : memref<!tpu.dma_semaphore, #tpu.memory_space<semaphore_mem>>) src(%arg6 : memref<3x3xf32, #tpu.memory_space<hbm>>) dst(%arg23 : memref<3x3xf32, #tpu.memory_space<vmem>>)
    tpu.wait_dma2 semaphore(%arg36 : memref<!tpu.dma_semaphore, #tpu.memory_space<semaphore_mem>>) src(%arg7 : memref<5x9xf32, #tpu.memory_space<hbm>>) dst(%arg24 : memref<5x9xf32, #tpu.memory_space<vmem>>)
    tpu.wait_dma2 semaphore(%arg36 : memref<!tpu.dma_semaphore, #tpu.memory_space<semaphore_mem>>) src(%arg8 : memref<3x6xf32, #tpu.memory_space<hbm>>) dst(%arg25 : memref<3x6xf32, #tpu.memory_space<vmem>>)
    tpu.wait_dma2 semaphore(%arg36 : memref<!tpu.dma_semaphore, #tpu.memory_space<semaphore_mem>>) src(%arg9 : memref<2x4xf32, #tpu.memory_space<hbm>>) dst(%arg26 : memref<2x4xf32, #tpu.memory_space<vmem>>)
    tpu.wait_dma2 semaphore(%arg36 : memref<!tpu.dma_semaphore, #tpu.memory_space<semaphore_mem>>) src(%arg10 : memref<3x5xf32, #tpu.memory_space<hbm>>) dst(%arg27 : memref<3x5xf32, #tpu.memory_space<vmem>>)
    tpu.wait_dma2 semaphore(%arg36 : memref<!tpu.dma_semaphore, #tpu.memory_space<semaphore_mem>>) src(%arg11 : memref<3x5xf32, #tpu.memory_space<hbm>>) dst(%arg28 : memref<3x5xf32, #tpu.memory_space<vmem>>)
    tpu.wait_dma2 semaphore(%arg36 : memref<!tpu.dma_semaphore, #tpu.memory_space<semaphore_mem>>) src(%arg12 : memref<2x3xf32, #tpu.memory_space<hbm>>) dst(%arg29 : memref<2x3xf32, #tpu.memory_space<vmem>>)
    tpu.wait_dma2 semaphore(%arg36 : memref<!tpu.dma_semaphore, #tpu.memory_space<semaphore_mem>>) src(%arg13 : memref<2x3xf32, #tpu.memory_space<hbm>>) dst(%arg30 : memref<2x3xf32, #tpu.memory_space<vmem>>)
    tpu.wait_dma2 semaphore(%arg36 : memref<!tpu.dma_semaphore, #tpu.memory_space<semaphore_mem>>) src(%arg14 : memref<2x3xf32, #tpu.memory_space<hbm>>) dst(%arg31 : memref<2x3xf32, #tpu.memory_space<vmem>>)
    tpu.wait_dma2 semaphore(%arg36 : memref<!tpu.dma_semaphore, #tpu.memory_space<semaphore_mem>>) src(%arg15 : memref<2x3xf32, #tpu.memory_space<hbm>>) dst(%arg32 : memref<2x3xf32, #tpu.memory_space<vmem>>)
    tpu.wait_dma2 semaphore(%arg36 : memref<!tpu.dma_semaphore, #tpu.memory_space<semaphore_mem>>) src(%arg16 : memref<2x3xf32, #tpu.memory_space<hbm>>) dst(%arg33 : memref<2x3xf32, #tpu.memory_space<vmem>>)
    tpu.wait_dma2 semaphore(%arg36 : memref<!tpu.dma_semaphore, #tpu.memory_space<semaphore_mem>>) src(%arg17 : memref<5x10xf32, #tpu.memory_space<hbm>>) dst(%arg34 : memref<5x10xf32, #tpu.memory_space<vmem>>)
    %dma_wait3A = arith.constant 0 : i32
    %dma_wait3A_43 = arith.constant 0 : i32
    %dma_wait3A_44 = tpu.memref_slice %arg19[%dma_wait3A, %dma_wait3A_43] : memref<16x512xf32, #tpu.memory_space<vmem>> -> memref<16x256xf32, #tpu.memory_space<vmem>>
    %dma_wait3A_45 = arith.constant 0 : i32
    %dma_wait3A_46 = tpu.memref_slice %arg2[%dma_wait3A_45, %mul3A_2] : memref<16x16384xf32, #tpu.memory_space<hbm>> -> memref<16x256xf32, #tpu.memory_space<hbm>>
    %dma_wait3A_47 = arith.constant 0 : i32
    %dma_wait3A_48 = arith.constant 0 : i32
    %dma_wait3A_49 = tpu.memref_slice %arg19[%dma_wait3A_47, %dma_wait3A_48] : memref<16x512xf32, #tpu.memory_space<vmem>> -> memref<16x256xf32, #tpu.memory_space<vmem>>
    %dma_wait3A_50 = arith.constant 0 : i32
    %dma_wait3A_51 = tpu.memref_slice %arg2[%dma_wait3A_50, %mul3A_2] : memref<16x16384xf32, #tpu.memory_space<hbm>> -> memref<16x256xf32, #tpu.memory_space<hbm>>
    tpu.wait_dma2 semaphore(%arg36 : memref<!tpu.dma_semaphore, #tpu.memory_space<semaphore_mem>>) src(%dma_wait3A_51 : memref<16x256xf32, #tpu.memory_space<hbm>>) dst(%dma_wait3A_49 : memref<16x256xf32, #tpu.memory_space<vmem>>)
    %scan3A = arith.constant 0 : i32
    %scan3A_52 = arith.constant 16 : i32
    %scan3A_53 = arith.addi %scan3A, %scan3A_52 : i32
    %scan3A_54 = arith.constant 1 : i32
    scf.for %scan3A_113 = %scan3A to %scan3A_53 step %scan3A_54  : i32 {
      %mul3A_114 = arith.constant 16 : i32
      %mul3A_115 = arith.muli %scan3A_113, %mul3A_114 : i32
      %get3A = arith.constant 0 : i32
      %get3A_116 = arith.index_cast %get3A : i32 to index
      %get3A_117 = arith.index_cast %mul3A_115 : i32 to index
      %get3A_118 = tpu.vector_load %arg19[%get3A_116, %get3A_117] {strides = array<i32>} : memref<16x512xf32, #tpu.memory_space<vmem>>, vector<16xf32>,
      %swap3A = arith.constant 0 : i32
      %swap3A_119 = arith.index_cast %swap3A : i32 to index
      %swap3A_120 = arith.index_cast %mul3A_115 : i32 to index
      %swap3A_121 = tpu.vector_load %arg35[%swap3A_119, %swap3A_120] {strides = array<i32>} : memref<57x512xf32, #tpu.memory_space<vmem>>, vector<16xf32>,
      tpu.vector_store %arg35[%swap3A_119, %swap3A_120], %get3A_118 {strides = array<i32>} : memref<57x512xf32, #tpu.memory_space<vmem>>, vector<16xf32>,
      %get3A_122 = arith.constant 1 : i32
      %get3A_123 = arith.index_cast %get3A_122 : i32 to index
      %get3A_124 = arith.index_cast %mul3A_115 : i32 to index
      %get3A_125 = tpu.vector_load %arg19[%get3A_123, %get3A_124] {strides = array<i32>} : memref<16x512xf32, #tpu.memory_space<vmem>>, vector<16xf32>,
      %convert_element_type3A = arith.fptosi %get3A_125 : vector<16xf32> to vector<16xi32>
      %get3A_126 = arith.constant 2 : i32
      %get3A_127 = arith.index_cast %get3A_126 : i32 to index
      %get3A_128 = arith.index_cast %mul3A_115 : i32 to index
      %get3A_129 = tpu.vector_load %arg19[%get3A_127, %get3A_128] {strides = array<i32>} : memref<16x512xf32, #tpu.memory_space<vmem>>, vector<16xf32>,
      %convert_element_type3A_130 = arith.fptosi %get3A_129 : vector<16xf32> to vector<16xi32>
      %get3A_131 = arith.constant 3 : i32
      %get3A_132 = arith.index_cast %get3A_131 : i32 to index
      %get3A_133 = arith.index_cast %mul3A_115 : i32 to index
      %get3A_134 = tpu.vector_load %arg19[%get3A_132, %get3A_133] {strides = array<i32>} : memref<16x512xf32, #tpu.memory_space<vmem>>, vector<16xf32>,
      %convert_element_type3A_135 = arith.fptosi %get3A_134 : vector<16xf32> to vector<16xi32>
      %get3A_136 = arith.constant 4 : i32
      %get3A_137 = arith.index_cast %get3A_136 : i32 to index
      %get3A_138 = arith.index_cast %mul3A_115 : i32 to index
      %get3A_139 = tpu.vector_load %arg19[%get3A_137, %get3A_138] {strides = array<i32>} : memref<16x512xf32, #tpu.memory_space<vmem>>, vector<16xf32>,
      %convert_element_type3A_140 = arith.fptosi %get3A_139 : vector<16xf32> to vector<16xi32>
      %get3A_141 = arith.constant 5 : i32
      %get3A_142 = arith.index_cast %get3A_141 : i32 to index
      %get3A_143 = arith.index_cast %mul3A_115 : i32 to index
      %get3A_144 = tpu.vector_load %arg19[%get3A_142, %get3A_143] {strides = array<i32>} : memref<16x512xf32, #tpu.memory_space<vmem>>, vector<16xf32>,
      %convert_element_type3A_145 = arith.fptosi %get3A_144 : vector<16xf32> to vector<16xi32>
      %get3A_146 = arith.constant 6 : i32
      %get3A_147 = arith.index_cast %get3A_146 : i32 to index
      %get3A_148 = arith.index_cast %mul3A_115 : i32 to index
      %get3A_149 = tpu.vector_load %arg19[%get3A_147, %get3A_148] {strides = array<i32>} : memref<16x512xf32, #tpu.memory_space<vmem>>, vector<16xf32>,
      %convert_element_type3A_150 = arith.fptosi %get3A_149 : vector<16xf32> to vector<16xi32>
      %get3A_151 = arith.constant 7 : i32
      %get3A_152 = arith.index_cast %get3A_151 : i32 to index
      %get3A_153 = arith.index_cast %mul3A_115 : i32 to index
      %get3A_154 = tpu.vector_load %arg19[%get3A_152, %get3A_153] {strides = array<i32>} : memref<16x512xf32, #tpu.memory_space<vmem>>, vector<16xf32>,
      %convert_element_type3A_155 = arith.fptosi %get3A_154 : vector<16xf32> to vector<16xi32>
      %get3A_156 = arith.constant 8 : i32
      %get3A_157 = arith.index_cast %get3A_156 : i32 to index
      %get3A_158 = arith.index_cast %mul3A_115 : i32 to index
      %get3A_159 = tpu.vector_load %arg19[%get3A_157, %get3A_158] {strides = array<i32>} : memref<16x512xf32, #tpu.memory_space<vmem>>, vector<16xf32>,
      %convert_element_type3A_160 = arith.fptosi %get3A_159 : vector<16xf32> to vector<16xi32>
      %get3A_161 = arith.constant 9 : i32
      %get3A_162 = arith.index_cast %get3A_161 : i32 to index
      %get3A_163 = arith.index_cast %mul3A_115 : i32 to index
      %get3A_164 = tpu.vector_load %arg19[%get3A_162, %get3A_163] {strides = array<i32>} : memref<16x512xf32, #tpu.memory_space<vmem>>, vector<16xf32>,
      %convert_element_type3A_165 = arith.fptosi %get3A_164 : vector<16xf32> to vector<16xi32>
      %get3A_166 = arith.constant 10 : i32
      %get3A_167 = arith.index_cast %get3A_166 : i32 to index
      %get3A_168 = arith.index_cast %mul3A_115 : i32 to index
      %get3A_169 = tpu.vector_load %arg19[%get3A_167, %get3A_168] {strides = array<i32>} : memref<16x512xf32, #tpu.memory_space<vmem>>, vector<16xf32>,
      %convert_element_type3A_170 = arith.fptosi %get3A_169 : vector<16xf32> to vector<16xi32>
      %get3A_171 = arith.constant 11 : i32
      %get3A_172 = arith.index_cast %get3A_171 : i32 to index
      %get3A_173 = arith.index_cast %mul3A_115 : i32 to index
      %get3A_174 = tpu.vector_load %arg19[%get3A_172, %get3A_173] {strides = array<i32>} : memref<16x512xf32, #tpu.memory_space<vmem>>, vector<16xf32>,
      %convert_element_type3A_175 = arith.fptosi %get3A_174 : vector<16xf32> to vector<16xi32>
      %get3A_176 = arith.constant 12 : i32
      %get3A_177 = arith.index_cast %get3A_176 : i32 to index
      %get3A_178 = arith.index_cast %mul3A_115 : i32 to index
      %get3A_179 = tpu.vector_load %arg19[%get3A_177, %get3A_178] {strides = array<i32>} : memref<16x512xf32, #tpu.memory_space<vmem>>, vector<16xf32>,
      %convert_element_type3A_180 = arith.fptosi %get3A_179 : vector<16xf32> to vector<16xi32>
      %get3A_181 = arith.constant 13 : i32
      %get3A_182 = arith.index_cast %get3A_181 : i32 to index
      %get3A_183 = arith.index_cast %mul3A_115 : i32 to index
      %get3A_184 = tpu.vector_load %arg19[%get3A_182, %get3A_183] {strides = array<i32>} : memref<16x512xf32, #tpu.memory_space<vmem>>, vector<16xf32>,
      %convert_element_type3A_185 = arith.fptosi %get3A_184 : vector<16xf32> to vector<16xi32>
      %get3A_186 = arith.constant 14 : i32
      %get3A_187 = arith.index_cast %get3A_186 : i32 to index
      %get3A_188 = arith.index_cast %mul3A_115 : i32 to index
      %get3A_189 = tpu.vector_load %arg19[%get3A_187, %get3A_188] {strides = array<i32>} : memref<16x512xf32, #tpu.memory_space<vmem>>, vector<16xf32>,
      %convert_element_type3A_190 = arith.fptosi %get3A_189 : vector<16xf32> to vector<16xi32>
      %get3A_191 = arith.constant 15 : i32
      %get3A_192 = arith.index_cast %get3A_191 : i32 to index
      %get3A_193 = arith.index_cast %mul3A_115 : i32 to index
      %get3A_194 = tpu.vector_load %arg19[%get3A_192, %get3A_193] {strides = array<i32>} : memref<16x512xf32, #tpu.memory_space<vmem>>, vector<16xf32>,
      %convert_element_type3A_195 = arith.fptosi %get3A_194 : vector<16xf32> to vector<16xi32>
      %gather3A = tpu.vector_load_idx %arg20[%broadcast_in_dim3A_24, %convert_element_type3A] : memref<10x25xf32, #tpu.memory_space<vmem>>[vector<16xi32>, vector<16xi32>], vector<16xf32>,
      %swap3A_196 = arith.constant 1 : i32
      %swap3A_197 = arith.index_cast %swap3A_196 : i32 to index
      %swap3A_198 = arith.index_cast %mul3A_115 : i32 to index
      %swap3A_199 = tpu.vector_load %arg35[%swap3A_197, %swap3A_198] {strides = array<i32>} : memref<57x512xf32, #tpu.memory_space<vmem>>, vector<16xf32>,
      tpu.vector_store %arg35[%swap3A_197, %swap3A_198], %gather3A {strides = array<i32>} : memref<57x512xf32, #tpu.memory_space<vmem>>, vector<16xf32>,
      %gather3A_200 = tpu.vector_load_idx %arg20[%broadcast_in_dim3A_26, %convert_element_type3A] : memref<10x25xf32, #tpu.memory_space<vmem>>[vector<16xi32>, vector<16xi32>], vector<16xf32>,
      %swap3A_201 = arith.constant 2 : i32
      %swap3A_202 = arith.index_cast %swap3A_201 : i32 to index
      %swap3A_203 = arith.index_cast %mul3A_115 : i32 to index
      %swap3A_204 = tpu.vector_load %arg35[%swap3A_202, %swap3A_203] {strides = array<i32>} : memref<57x512xf32, #tpu.memory_space<vmem>>, vector<16xf32>,
      tpu.vector_store %arg35[%swap3A_202, %swap3A_203], %gather3A_200 {strides = array<i32>} : memref<57x512xf32, #tpu.memory_space<vmem>>, vector<16xf32>,
      %gather3A_205 = tpu.vector_load_idx %arg20[%broadcast_in_dim3A_28, %convert_element_type3A] : memref<10x25xf32, #tpu.memory_space<vmem>>[vector<16xi32>, vector<16xi32>], vector<16xf32>,
      %swap3A_206 = arith.constant 3 : i32
      %swap3A_207 = arith.index_cast %swap3A_206 : i32 to index
      %swap3A_208 = arith.index_cast %mul3A_115 : i32 to index
      %swap3A_209 = tpu.vector_load %arg35[%swap3A_207, %swap3A_208] {strides = array<i32>} : memref<57x512xf32, #tpu.memory_space<vmem>>, vector<16xf32>,
      tpu.vector_store %arg35[%swap3A_207, %swap3A_208], %gather3A_205 {strides = array<i32>} : memref<57x512xf32, #tpu.memory_space<vmem>>, vector<16xf32>,
      %gather3A_210 = tpu.vector_load_idx %arg20[%broadcast_in_dim3A_30, %convert_element_type3A] : memref<10x25xf32, #tpu.memory_space<vmem>>[vector<16xi32>, vector<16xi32>], vector<16xf32>,
      %swap3A_211 = arith.constant 4 : i32
      %swap3A_212 = arith.index_cast %swap3A_211 : i32 to index
      %swap3A_213 = arith.index_cast %mul3A_115 : i32 to index
      %swap3A_214 = tpu.vector_load %arg35[%swap3A_212, %swap3A_213] {strides = array<i32>} : memref<57x512xf32, #tpu.memory_space<vmem>>, vector<16xf32>,
      tpu.vector_store %arg35[%swap3A_212, %swap3A_213], %gather3A_210 {strides = array<i32>} : memref<57x512xf32, #tpu.memory_space<vmem>>, vector<16xf32>,
      %gather3A_215 = tpu.vector_load_idx %arg20[%broadcast_in_dim3A_32, %convert_element_type3A] : memref<10x25xf32, #tpu.memory_space<vmem>>[vector<16xi32>, vector<16xi32>], vector<16xf32>,
      %swap3A_216 = arith.constant 5 : i32
      %swap3A_217 = arith.index_cast %swap3A_216 : i32 to index
      %swap3A_218 = arith.index_cast %mul3A_115 : i32 to index
      %swap3A_219 = tpu.vector_load %arg35[%swap3A_217, %swap3A_218] {strides = array<i32>} : memref<57x512xf32, #tpu.memory_space<vmem>>, vector<16xf32>,
      tpu.vector_store %arg35[%swap3A_217, %swap3A_218], %gather3A_215 {strides = array<i32>} : memref<57x512xf32, #tpu.memory_space<vmem>>, vector<16xf32>,
      %gather3A_220 = tpu.vector_load_idx %arg20[%broadcast_in_dim3A_34, %convert_element_type3A] : memref<10x25xf32, #tpu.memory_space<vmem>>[vector<16xi32>, vector<16xi32>], vector<16xf32>,
      %swap3A_221 = arith.constant 6 : i32
      %swap3A_222 = arith.index_cast %swap3A_221 : i32 to index
      %swap3A_223 = arith.index_cast %mul3A_115 : i32 to index
      %swap3A_224 = tpu.vector_load %arg35[%swap3A_222, %swap3A_223] {strides = array<i32>} : memref<57x512xf32, #tpu.memory_space<vmem>>, vector<16xf32>,
      tpu.vector_store %arg35[%swap3A_222, %swap3A_223], %gather3A_220 {strides = array<i32>} : memref<57x512xf32, #tpu.memory_space<vmem>>, vector<16xf32>,
      %gather3A_225 = tpu.vector_load_idx %arg20[%broadcast_in_dim3A_36, %convert_element_type3A] : memref<10x25xf32, #tpu.memory_space<vmem>>[vector<16xi32>, vector<16xi32>], vector<16xf32>,
      %swap3A_226 = arith.constant 7 : i32
      %swap3A_227 = arith.index_cast %swap3A_226 : i32 to index
      %swap3A_228 = arith.index_cast %mul3A_115 : i32 to index
      %swap3A_229 = tpu.vector_load %arg35[%swap3A_227, %swap3A_228] {strides = array<i32>} : memref<57x512xf32, #tpu.memory_space<vmem>>, vector<16xf32>,
      tpu.vector_store %arg35[%swap3A_227, %swap3A_228], %gather3A_225 {strides = array<i32>} : memref<57x512xf32, #tpu.memory_space<vmem>>, vector<16xf32>,
      %gather3A_230 = tpu.vector_load_idx %arg20[%broadcast_in_dim3A_38, %convert_element_type3A] : memref<10x25xf32, #tpu.memory_space<vmem>>[vector<16xi32>, vector<16xi32>], vector<16xf32>,
      %swap3A_231 = arith.constant 8 : i32
      %swap3A_232 = arith.index_cast %swap3A_231 : i32 to index
      %swap3A_233 = arith.index_cast %mul3A_115 : i32 to index
      %swap3A_234 = tpu.vector_load %arg35[%swap3A_232, %swap3A_233] {strides = array<i32>} : memref<57x512xf32, #tpu.memory_space<vmem>>, vector<16xf32>,
      tpu.vector_store %arg35[%swap3A_232, %swap3A_233], %gather3A_230 {strides = array<i32>} : memref<57x512xf32, #tpu.memory_space<vmem>>, vector<16xf32>,
      %gather3A_235 = tpu.vector_load_idx %arg20[%broadcast_in_dim3A_40, %convert_element_type3A] : memref<10x25xf32, #tpu.memory_space<vmem>>[vector<16xi32>, vector<16xi32>], vector<16xf32>,
      %swap3A_236 = arith.constant 9 : i32
      %swap3A_237 = arith.index_cast %swap3A_236 : i32 to index
      %swap3A_238 = arith.index_cast %mul3A_115 : i32 to index
      %swap3A_239 = tpu.vector_load %arg35[%swap3A_237, %swap3A_238] {strides = array<i32>} : memref<57x512xf32, #tpu.memory_space<vmem>>, vector<16xf32>,
      tpu.vector_store %arg35[%swap3A_237, %swap3A_238], %gather3A_235 {strides = array<i32>} : memref<57x512xf32, #tpu.memory_space<vmem>>, vector<16xf32>,
      %gather3A_240 = tpu.vector_load_idx %arg20[%broadcast_in_dim3A_42, %convert_element_type3A] : memref<10x25xf32, #tpu.memory_space<vmem>>[vector<16xi32>, vector<16xi32>], vector<16xf32>,
      %swap3A_241 = arith.constant 10 : i32
      %swap3A_242 = arith.index_cast %swap3A_241 : i32 to index
      %swap3A_243 = arith.index_cast %mul3A_115 : i32 to index
      %swap3A_244 = tpu.vector_load %arg35[%swap3A_242, %swap3A_243] {strides = array<i32>} : memref<57x512xf32, #tpu.memory_space<vmem>>, vector<16xf32>,
      tpu.vector_store %arg35[%swap3A_242, %swap3A_243], %gather3A_240 {strides = array<i32>} : memref<57x512xf32, #tpu.memory_space<vmem>>, vector<16xf32>,
      %gather3A_245 = tpu.vector_load_idx %arg21[%broadcast_in_dim3A_24, %convert_element_type3A_130] : memref<3x6xf32, #tpu.memory_space<vmem>>[vector<16xi32>, vector<16xi32>], vector<16xf32>,
      %swap3A_246 = arith.constant 11 : i32
      %swap3A_247 = arith.index_cast %swap3A_246 : i32 to index
      %swap3A_248 = arith.index_cast %mul3A_115 : i32 to index
      %swap3A_249 = tpu.vector_load %arg35[%swap3A_247, %swap3A_248] {strides = array<i32>} : memref<57x512xf32, #tpu.memory_space<vmem>>, vector<16xf32>,
      tpu.vector_store %arg35[%swap3A_247, %swap3A_248], %gather3A_245 {strides = array<i32>} : memref<57x512xf32, #tpu.memory_space<vmem>>, vector<16xf32>,
      %gather3A_250 = tpu.vector_load_idx %arg21[%broadcast_in_dim3A_26, %convert_element_type3A_130] : memref<3x6xf32, #tpu.memory_space<vmem>>[vector<16xi32>, vector<16xi32>], vector<16xf32>,
      %swap3A_251 = arith.constant 12 : i32
      %swap3A_252 = arith.index_cast %swap3A_251 : i32 to index
      %swap3A_253 = arith.index_cast %mul3A_115 : i32 to index
      %swap3A_254 = tpu.vector_load %arg35[%swap3A_252, %swap3A_253] {strides = array<i32>} : memref<57x512xf32, #tpu.memory_space<vmem>>, vector<16xf32>,
      tpu.vector_store %arg35[%swap3A_252, %swap3A_253], %gather3A_250 {strides = array<i32>} : memref<57x512xf32, #tpu.memory_space<vmem>>, vector<16xf32>,
      %gather3A_255 = tpu.vector_load_idx %arg21[%broadcast_in_dim3A_28, %convert_element_type3A_130] : memref<3x6xf32, #tpu.memory_space<vmem>>[vector<16xi32>, vector<16xi32>], vector<16xf32>,
      %swap3A_256 = arith.constant 13 : i32
      %swap3A_257 = arith.index_cast %swap3A_256 : i32 to index
      %swap3A_258 = arith.index_cast %mul3A_115 : i32 to index
      %swap3A_259 = tpu.vector_load %arg35[%swap3A_257, %swap3A_258] {strides = array<i32>} : memref<57x512xf32, #tpu.memory_space<vmem>>, vector<16xf32>,
      tpu.vector_store %arg35[%swap3A_257, %swap3A_258], %gather3A_255 {strides = array<i32>} : memref<57x512xf32, #tpu.memory_space<vmem>>, vector<16xf32>,
      %gather3A_260 = tpu.vector_load_idx %arg22[%broadcast_in_dim3A_24, %convert_element_type3A_135] : memref<9x18xf32, #tpu.memory_space<vmem>>[vector<16xi32>, vector<16xi32>], vector<16xf32>,
      %swap3A_261 = arith.constant 14 : i32
      %swap3A_262 = arith.index_cast %swap3A_261 : i32 to index
      %swap3A_263 = arith.index_cast %mul3A_115 : i32 to index
      %swap3A_264 = tpu.vector_load %arg35[%swap3A_262, %swap3A_263] {strides = array<i32>} : memref<57x512xf32, #tpu.memory_space<vmem>>, vector<16xf32>,
      tpu.vector_store %arg35[%swap3A_262, %swap3A_263], %gather3A_260 {strides = array<i32>} : memref<57x512xf32, #tpu.memory_space<vmem>>, vector<16xf32>,
      %gather3A_265 = tpu.vector_load_idx %arg22[%broadcast_in_dim3A_26, %convert_element_type3A_135] : memref<9x18xf32, #tpu.memory_space<vmem>>[vector<16xi32>, vector<16xi32>], vector<16xf32>,
      %swap3A_266 = arith.constant 15 : i32
      %swap3A_267 = arith.index_cast %swap3A_266 : i32 to index
      %swap3A_268 = arith.index_cast %mul3A_115 : i32 to index
      %swap3A_269 = tpu.vector_load %arg35[%swap3A_267, %swap3A_268] {strides = array<i32>} : memref<57x512xf32, #tpu.memory_space<vmem>>, vector<16xf32>,
      tpu.vector_store %arg35[%swap3A_267, %swap3A_268], %gather3A_265 {strides = array<i32>} : memref<57x512xf32, #tpu.memory_space<vmem>>, vector<16xf32>,
      %gather3A_270 = tpu.vector_load_idx %arg22[%broadcast_in_dim3A_28, %convert_element_type3A_135] : memref<9x18xf32, #tpu.memory_space<vmem>>[vector<16xi32>, vector<16xi32>], vector<16xf32>,
      %swap3A_271 = arith.constant 16 : i32
      %swap3A_272 = arith.index_cast %swap3A_271 : i32 to index
      %swap3A_273 = arith.index_cast %mul3A_115 : i32 to index
      %swap3A_274 = tpu.vector_load %arg35[%swap3A_272, %swap3A_273] {strides = array<i32>} : memref<57x512xf32, #tpu.memory_space<vmem>>, vector<16xf32>,
      tpu.vector_store %arg35[%swap3A_272, %swap3A_273], %gather3A_270 {strides = array<i32>} : memref<57x512xf32, #tpu.memory_space<vmem>>, vector<16xf32>,
      %gather3A_275 = tpu.vector_load_idx %arg22[%broadcast_in_dim3A_30, %convert_element_type3A_135] : memref<9x18xf32, #tpu.memory_space<vmem>>[vector<16xi32>, vector<16xi32>], vector<16xf32>,
      %swap3A_276 = arith.constant 17 : i32
      %swap3A_277 = arith.index_cast %swap3A_276 : i32 to index
      %swap3A_278 = arith.index_cast %mul3A_115 : i32 to index
      %swap3A_279 = tpu.vector_load %arg35[%swap3A_277, %swap3A_278] {strides = array<i32>} : memref<57x512xf32, #tpu.memory_space<vmem>>, vector<16xf32>,
      tpu.vector_store %arg35[%swap3A_277, %swap3A_278], %gather3A_275 {strides = array<i32>} : memref<57x512xf32, #tpu.memory_space<vmem>>, vector<16xf32>,
      %gather3A_280 = tpu.vector_load_idx %arg22[%broadcast_in_dim3A_32, %convert_element_type3A_135] : memref<9x18xf32, #tpu.memory_space<vmem>>[vector<16xi32>, vector<16xi32>], vector<16xf32>,
      %swap3A_281 = arith.constant 18 : i32
      %swap3A_282 = arith.index_cast %swap3A_281 : i32 to index
      %swap3A_283 = arith.index_cast %mul3A_115 : i32 to index
      %swap3A_284 = tpu.vector_load %arg35[%swap3A_282, %swap3A_283] {strides = array<i32>} : memref<57x512xf32, #tpu.memory_space<vmem>>, vector<16xf32>,
      tpu.vector_store %arg35[%swap3A_282, %swap3A_283], %gather3A_280 {strides = array<i32>} : memref<57x512xf32, #tpu.memory_space<vmem>>, vector<16xf32>,
      %gather3A_285 = tpu.vector_load_idx %arg22[%broadcast_in_dim3A_34, %convert_element_type3A_135] : memref<9x18xf32, #tpu.memory_space<vmem>>[vector<16xi32>, vector<16xi32>], vector<16xf32>,
      %swap3A_286 = arith.constant 19 : i32
      %swap3A_287 = arith.index_cast %swap3A_286 : i32 to index
      %swap3A_288 = arith.index_cast %mul3A_115 : i32 to index
      %swap3A_289 = tpu.vector_load %arg35[%swap3A_287, %swap3A_288] {strides = array<i32>} : memref<57x512xf32, #tpu.memory_space<vmem>>, vector<16xf32>,
      tpu.vector_store %arg35[%swap3A_287, %swap3A_288], %gather3A_285 {strides = array<i32>} : memref<57x512xf32, #tpu.memory_space<vmem>>, vector<16xf32>,
      %gather3A_290 = tpu.vector_load_idx %arg22[%broadcast_in_dim3A_36, %convert_element_type3A_135] : memref<9x18xf32, #tpu.memory_space<vmem>>[vector<16xi32>, vector<16xi32>], vector<16xf32>,
      %swap3A_291 = arith.constant 20 : i32
      %swap3A_292 = arith.index_cast %swap3A_291 : i32 to index
      %swap3A_293 = arith.index_cast %mul3A_115 : i32 to index
      %swap3A_294 = tpu.vector_load %arg35[%swap3A_292, %swap3A_293] {strides = array<i32>} : memref<57x512xf32, #tpu.memory_space<vmem>>, vector<16xf32>,
      tpu.vector_store %arg35[%swap3A_292, %swap3A_293], %gather3A_290 {strides = array<i32>} : memref<57x512xf32, #tpu.memory_space<vmem>>, vector<16xf32>,
      %gather3A_295 = tpu.vector_load_idx %arg22[%broadcast_in_dim3A_38, %convert_element_type3A_135] : memref<9x18xf32, #tpu.memory_space<vmem>>[vector<16xi32>, vector<16xi32>], vector<16xf32>,
      %swap3A_296 = arith.constant 21 : i32
      %swap3A_297 = arith.index_cast %swap3A_296 : i32 to index
      %swap3A_298 = arith.index_cast %mul3A_115 : i32 to index
      %swap3A_299 = tpu.vector_load %arg35[%swap3A_297, %swap3A_298] {strides = array<i32>} : memref<57x512xf32, #tpu.memory_space<vmem>>, vector<16xf32>,
      tpu.vector_store %arg35[%swap3A_297, %swap3A_298], %gather3A_295 {strides = array<i32>} : memref<57x512xf32, #tpu.memory_space<vmem>>, vector<16xf32>,
      %gather3A_300 = tpu.vector_load_idx %arg22[%broadcast_in_dim3A_40, %convert_element_type3A_135] : memref<9x18xf32, #tpu.memory_space<vmem>>[vector<16xi32>, vector<16xi32>], vector<16xf32>,
      %swap3A_301 = arith.constant 22 : i32
      %swap3A_302 = arith.index_cast %swap3A_301 : i32 to index
      %swap3A_303 = arith.index_cast %mul3A_115 : i32 to index
      %swap3A_304 = tpu.vector_load %arg35[%swap3A_302, %swap3A_303] {strides = array<i32>} : memref<57x512xf32, #tpu.memory_space<vmem>>, vector<16xf32>,
      tpu.vector_store %arg35[%swap3A_302, %swap3A_303], %gather3A_300 {strides = array<i32>} : memref<57x512xf32, #tpu.memory_space<vmem>>, vector<16xf32>,
      %gather3A_305 = tpu.vector_load_idx %arg23[%broadcast_in_dim3A_24, %convert_element_type3A_140] : memref<3x3xf32, #tpu.memory_space<vmem>>[vector<16xi32>, vector<16xi32>], vector<16xf32>,
      %swap3A_306 = arith.constant 23 : i32
      %swap3A_307 = arith.index_cast %swap3A_306 : i32 to index
      %swap3A_308 = arith.index_cast %mul3A_115 : i32 to index
      %swap3A_309 = tpu.vector_load %arg35[%swap3A_307, %swap3A_308] {strides = array<i32>} : memref<57x512xf32, #tpu.memory_space<vmem>>, vector<16xf32>,
      tpu.vector_store %arg35[%swap3A_307, %swap3A_308], %gather3A_305 {strides = array<i32>} : memref<57x512xf32, #tpu.memory_space<vmem>>, vector<16xf32>,
      %gather3A_310 = tpu.vector_load_idx %arg23[%broadcast_in_dim3A_26, %convert_element_type3A_140] : memref<3x3xf32, #tpu.memory_space<vmem>>[vector<16xi32>, vector<16xi32>], vector<16xf32>,
      %swap3A_311 = arith.constant 24 : i32
      %swap3A_312 = arith.index_cast %swap3A_311 : i32 to index
      %swap3A_313 = arith.index_cast %mul3A_115 : i32 to index
      %swap3A_314 = tpu.vector_load %arg35[%swap3A_312, %swap3A_313] {strides = array<i32>} : memref<57x512xf32, #tpu.memory_space<vmem>>, vector<16xf32>,
      tpu.vector_store %arg35[%swap3A_312, %swap3A_313], %gather3A_310 {strides = array<i32>} : memref<57x512xf32, #tpu.memory_space<vmem>>, vector<16xf32>,
      %gather3A_315 = tpu.vector_load_idx %arg23[%broadcast_in_dim3A_28, %convert_element_type3A_140] : memref<3x3xf32, #tpu.memory_space<vmem>>[vector<16xi32>, vector<16xi32>], vector<16xf32>,
      %swap3A_316 = arith.constant 25 : i32
      %swap3A_317 = arith.index_cast %swap3A_316 : i32 to index
      %swap3A_318 = arith.index_cast %mul3A_115 : i32 to index
      %swap3A_319 = tpu.vector_load %arg35[%swap3A_317, %swap3A_318] {strides = array<i32>} : memref<57x512xf32, #tpu.memory_space<vmem>>, vector<16xf32>,
      tpu.vector_store %arg35[%swap3A_317, %swap3A_318], %gather3A_315 {strides = array<i32>} : memref<57x512xf32, #tpu.memory_space<vmem>>, vector<16xf32>,
      %gather3A_320 = tpu.vector_load_idx %arg24[%broadcast_in_dim3A_24, %convert_element_type3A_145] : memref<5x9xf32, #tpu.memory_space<vmem>>[vector<16xi32>, vector<16xi32>], vector<16xf32>,
      %swap3A_321 = arith.constant 26 : i32
      %swap3A_322 = arith.index_cast %swap3A_321 : i32 to index
      %swap3A_323 = arith.index_cast %mul3A_115 : i32 to index
      %swap3A_324 = tpu.vector_load %arg35[%swap3A_322, %swap3A_323] {strides = array<i32>} : memref<57x512xf32, #tpu.memory_space<vmem>>, vector<16xf32>,
      tpu.vector_store %arg35[%swap3A_322, %swap3A_323], %gather3A_320 {strides = array<i32>} : memref<57x512xf32, #tpu.memory_space<vmem>>, vector<16xf32>,
      %gather3A_325 = tpu.vector_load_idx %arg24[%broadcast_in_dim3A_26, %convert_element_type3A_145] : memref<5x9xf32, #tpu.memory_space<vmem>>[vector<16xi32>, vector<16xi32>], vector<16xf32>,
      %swap3A_326 = arith.constant 27 : i32
      %swap3A_327 = arith.index_cast %swap3A_326 : i32 to index
      %swap3A_328 = arith.index_cast %mul3A_115 : i32 to index
      %swap3A_329 = tpu.vector_load %arg35[%swap3A_327, %swap3A_328] {strides = array<i32>} : memref<57x512xf32, #tpu.memory_space<vmem>>, vector<16xf32>,
      tpu.vector_store %arg35[%swap3A_327, %swap3A_328], %gather3A_325 {strides = array<i32>} : memref<57x512xf32, #tpu.memory_space<vmem>>, vector<16xf32>,
      %gather3A_330 = tpu.vector_load_idx %arg24[%broadcast_in_dim3A_28, %convert_element_type3A_145] : memref<5x9xf32, #tpu.memory_space<vmem>>[vector<16xi32>, vector<16xi32>], vector<16xf32>,
      %swap3A_331 = arith.constant 28 : i32
      %swap3A_332 = arith.index_cast %swap3A_331 : i32 to index
      %swap3A_333 = arith.index_cast %mul3A_115 : i32 to index
      %swap3A_334 = tpu.vector_load %arg35[%swap3A_332, %swap3A_333] {strides = array<i32>} : memref<57x512xf32, #tpu.memory_space<vmem>>, vector<16xf32>,
      tpu.vector_store %arg35[%swap3A_332, %swap3A_333], %gather3A_330 {strides = array<i32>} : memref<57x512xf32, #tpu.memory_space<vmem>>, vector<16xf32>,
      %gather3A_335 = tpu.vector_load_idx %arg24[%broadcast_in_dim3A_30, %convert_element_type3A_145] : memref<5x9xf32, #tpu.memory_space<vmem>>[vector<16xi32>, vector<16xi32>], vector<16xf32>,
      %swap3A_336 = arith.constant 29 : i32
      %swap3A_337 = arith.index_cast %swap3A_336 : i32 to index
      %swap3A_338 = arith.index_cast %mul3A_115 : i32 to index
      %swap3A_339 = tpu.vector_load %arg35[%swap3A_337, %swap3A_338] {strides = array<i32>} : memref<57x512xf32, #tpu.memory_space<vmem>>, vector<16xf32>,
      tpu.vector_store %arg35[%swap3A_337, %swap3A_338], %gather3A_335 {strides = array<i32>} : memref<57x512xf32, #tpu.memory_space<vmem>>, vector<16xf32>,
      %gather3A_340 = tpu.vector_load_idx %arg24[%broadcast_in_dim3A_32, %convert_element_type3A_145] : memref<5x9xf32, #tpu.memory_space<vmem>>[vector<16xi32>, vector<16xi32>], vector<16xf32>,
      %swap3A_341 = arith.constant 30 : i32
      %swap3A_342 = arith.index_cast %swap3A_341 : i32 to index
      %swap3A_343 = arith.index_cast %mul3A_115 : i32 to index
      %swap3A_344 = tpu.vector_load %arg35[%swap3A_342, %swap3A_343] {strides = array<i32>} : memref<57x512xf32, #tpu.memory_space<vmem>>, vector<16xf32>,
      tpu.vector_store %arg35[%swap3A_342, %swap3A_343], %gather3A_340 {strides = array<i32>} : memref<57x512xf32, #tpu.memory_space<vmem>>, vector<16xf32>,
      %gather3A_345 = tpu.vector_load_idx %arg25[%broadcast_in_dim3A_24, %convert_element_type3A_150] : memref<3x6xf32, #tpu.memory_space<vmem>>[vector<16xi32>, vector<16xi32>], vector<16xf32>,
      %swap3A_346 = arith.constant 31 : i32
      %swap3A_347 = arith.index_cast %swap3A_346 : i32 to index
      %swap3A_348 = arith.index_cast %mul3A_115 : i32 to index
      %swap3A_349 = tpu.vector_load %arg35[%swap3A_347, %swap3A_348] {strides = array<i32>} : memref<57x512xf32, #tpu.memory_space<vmem>>, vector<16xf32>,
      tpu.vector_store %arg35[%swap3A_347, %swap3A_348], %gather3A_345 {strides = array<i32>} : memref<57x512xf32, #tpu.memory_space<vmem>>, vector<16xf32>,
      %gather3A_350 = tpu.vector_load_idx %arg25[%broadcast_in_dim3A_26, %convert_element_type3A_150] : memref<3x6xf32, #tpu.memory_space<vmem>>[vector<16xi32>, vector<16xi32>], vector<16xf32>,
      %swap3A_351 = arith.constant 32 : i32
      %swap3A_352 = arith.index_cast %swap3A_351 : i32 to index
      %swap3A_353 = arith.index_cast %mul3A_115 : i32 to index
      %swap3A_354 = tpu.vector_load %arg35[%swap3A_352, %swap3A_353] {strides = array<i32>} : memref<57x512xf32, #tpu.memory_space<vmem>>, vector<16xf32>,
      tpu.vector_store %arg35[%swap3A_352, %swap3A_353], %gather3A_350 {strides = array<i32>} : memref<57x512xf32, #tpu.memory_space<vmem>>, vector<16xf32>,
      %gather3A_355 = tpu.vector_load_idx %arg25[%broadcast_in_dim3A_28, %convert_element_type3A_150] : memref<3x6xf32, #tpu.memory_space<vmem>>[vector<16xi32>, vector<16xi32>], vector<16xf32>,
      %swap3A_356 = arith.constant 33 : i32
      %swap3A_357 = arith.index_cast %swap3A_356 : i32 to index
      %swap3A_358 = arith.index_cast %mul3A_115 : i32 to index
      %swap3A_359 = tpu.vector_load %arg35[%swap3A_357, %swap3A_358] {strides = array<i32>} : memref<57x512xf32, #tpu.memory_space<vmem>>, vector<16xf32>,
      tpu.vector_store %arg35[%swap3A_357, %swap3A_358], %gather3A_355 {strides = array<i32>} : memref<57x512xf32, #tpu.memory_space<vmem>>, vector<16xf32>,
      %gather3A_360 = tpu.vector_load_idx %arg26[%broadcast_in_dim3A_24, %convert_element_type3A_155] : memref<2x4xf32, #tpu.memory_space<vmem>>[vector<16xi32>, vector<16xi32>], vector<16xf32>,
      %swap3A_361 = arith.constant 34 : i32
      %swap3A_362 = arith.index_cast %swap3A_361 : i32 to index
      %swap3A_363 = arith.index_cast %mul3A_115 : i32 to index
      %swap3A_364 = tpu.vector_load %arg35[%swap3A_362, %swap3A_363] {strides = array<i32>} : memref<57x512xf32, #tpu.memory_space<vmem>>, vector<16xf32>,
      tpu.vector_store %arg35[%swap3A_362, %swap3A_363], %gather3A_360 {strides = array<i32>} : memref<57x512xf32, #tpu.memory_space<vmem>>, vector<16xf32>,
      %gather3A_365 = tpu.vector_load_idx %arg26[%broadcast_in_dim3A_26, %convert_element_type3A_155] : memref<2x4xf32, #tpu.memory_space<vmem>>[vector<16xi32>, vector<16xi32>], vector<16xf32>,
      %swap3A_366 = arith.constant 35 : i32
      %swap3A_367 = arith.index_cast %swap3A_366 : i32 to index
      %swap3A_368 = arith.index_cast %mul3A_115 : i32 to index
      %swap3A_369 = tpu.vector_load %arg35[%swap3A_367, %swap3A_368] {strides = array<i32>} : memref<57x512xf32, #tpu.memory_space<vmem>>, vector<16xf32>,
      tpu.vector_store %arg35[%swap3A_367, %swap3A_368], %gather3A_365 {strides = array<i32>} : memref<57x512xf32, #tpu.memory_space<vmem>>, vector<16xf32>,
      %gather3A_370 = tpu.vector_load_idx %arg27[%broadcast_in_dim3A_24, %convert_element_type3A_160] : memref<3x5xf32, #tpu.memory_space<vmem>>[vector<16xi32>, vector<16xi32>], vector<16xf32>,
      %swap3A_371 = arith.constant 36 : i32
      %swap3A_372 = arith.index_cast %swap3A_371 : i32 to index
      %swap3A_373 = arith.index_cast %mul3A_115 : i32 to index
      %swap3A_374 = tpu.vector_load %arg35[%swap3A_372, %swap3A_373] {strides = array<i32>} : memref<57x512xf32, #tpu.memory_space<vmem>>, vector<16xf32>,
      tpu.vector_store %arg35[%swap3A_372, %swap3A_373], %gather3A_370 {strides = array<i32>} : memref<57x512xf32, #tpu.memory_space<vmem>>, vector<16xf32>,
      %gather3A_375 = tpu.vector_load_idx %arg27[%broadcast_in_dim3A_26, %convert_element_type3A_160] : memref<3x5xf32, #tpu.memory_space<vmem>>[vector<16xi32>, vector<16xi32>], vector<16xf32>,
      %swap3A_376 = arith.constant 37 : i32
      %swap3A_377 = arith.index_cast %swap3A_376 : i32 to index
      %swap3A_378 = arith.index_cast %mul3A_115 : i32 to index
      %swap3A_379 = tpu.vector_load %arg35[%swap3A_377, %swap3A_378] {strides = array<i32>} : memref<57x512xf32, #tpu.memory_space<vmem>>, vector<16xf32>,
      tpu.vector_store %arg35[%swap3A_377, %swap3A_378], %gather3A_375 {strides = array<i32>} : memref<57x512xf32, #tpu.memory_space<vmem>>, vector<16xf32>,
      %gather3A_380 = tpu.vector_load_idx %arg27[%broadcast_in_dim3A_28, %convert_element_type3A_160] : memref<3x5xf32, #tpu.memory_space<vmem>>[vector<16xi32>, vector<16xi32>], vector<16xf32>,
      %swap3A_381 = arith.constant 38 : i32
      %swap3A_382 = arith.index_cast %swap3A_381 : i32 to index
      %swap3A_383 = arith.index_cast %mul3A_115 : i32 to index
      %swap3A_384 = tpu.vector_load %arg35[%swap3A_382, %swap3A_383] {strides = array<i32>} : memref<57x512xf32, #tpu.memory_space<vmem>>, vector<16xf32>,
      tpu.vector_store %arg35[%swap3A_382, %swap3A_383], %gather3A_380 {strides = array<i32>} : memref<57x512xf32, #tpu.memory_space<vmem>>, vector<16xf32>,
      %gather3A_385 = tpu.vector_load_idx %arg28[%broadcast_in_dim3A_24, %convert_element_type3A_165] : memref<3x5xf32, #tpu.memory_space<vmem>>[vector<16xi32>, vector<16xi32>], vector<16xf32>,
      %swap3A_386 = arith.constant 39 : i32
      %swap3A_387 = arith.index_cast %swap3A_386 : i32 to index
      %swap3A_388 = arith.index_cast %mul3A_115 : i32 to index
      %swap3A_389 = tpu.vector_load %arg35[%swap3A_387, %swap3A_388] {strides = array<i32>} : memref<57x512xf32, #tpu.memory_space<vmem>>, vector<16xf32>,
      tpu.vector_store %arg35[%swap3A_387, %swap3A_388], %gather3A_385 {strides = array<i32>} : memref<57x512xf32, #tpu.memory_space<vmem>>, vector<16xf32>,
      %gather3A_390 = tpu.vector_load_idx %arg28[%broadcast_in_dim3A_26, %convert_element_type3A_165] : memref<3x5xf32, #tpu.memory_space<vmem>>[vector<16xi32>, vector<16xi32>], vector<16xf32>,
      %swap3A_391 = arith.constant 40 : i32
      %swap3A_392 = arith.index_cast %swap3A_391 : i32 to index
      %swap3A_393 = arith.index_cast %mul3A_115 : i32 to index
      %swap3A_394 = tpu.vector_load %arg35[%swap3A_392, %swap3A_393] {strides = array<i32>} : memref<57x512xf32, #tpu.memory_space<vmem>>, vector<16xf32>,
      tpu.vector_store %arg35[%swap3A_392, %swap3A_393], %gather3A_390 {strides = array<i32>} : memref<57x512xf32, #tpu.memory_space<vmem>>, vector<16xf32>,
      %gather3A_395 = tpu.vector_load_idx %arg28[%broadcast_in_dim3A_28, %convert_element_type3A_165] : memref<3x5xf32, #tpu.memory_space<vmem>>[vector<16xi32>, vector<16xi32>], vector<16xf32>,
      %swap3A_396 = arith.constant 41 : i32
      %swap3A_397 = arith.index_cast %swap3A_396 : i32 to index
      %swap3A_398 = arith.index_cast %mul3A_115 : i32 to index
      %swap3A_399 = tpu.vector_load %arg35[%swap3A_397, %swap3A_398] {strides = array<i32>} : memref<57x512xf32, #tpu.memory_space<vmem>>, vector<16xf32>,
      tpu.vector_store %arg35[%swap3A_397, %swap3A_398], %gather3A_395 {strides = array<i32>} : memref<57x512xf32, #tpu.memory_space<vmem>>, vector<16xf32>,
      %gather3A_400 = tpu.vector_load_idx %arg29[%broadcast_in_dim3A_24, %convert_element_type3A_170] : memref<2x3xf32, #tpu.memory_space<vmem>>[vector<16xi32>, vector<16xi32>], vector<16xf32>,
      %swap3A_401 = arith.constant 42 : i32
      %swap3A_402 = arith.index_cast %swap3A_401 : i32 to index
      %swap3A_403 = arith.index_cast %mul3A_115 : i32 to index
      %swap3A_404 = tpu.vector_load %arg35[%swap3A_402, %swap3A_403] {strides = array<i32>} : memref<57x512xf32, #tpu.memory_space<vmem>>, vector<16xf32>,
      tpu.vector_store %arg35[%swap3A_402, %swap3A_403], %gather3A_400 {strides = array<i32>} : memref<57x512xf32, #tpu.memory_space<vmem>>, vector<16xf32>,
      %gather3A_405 = tpu.vector_load_idx %arg29[%broadcast_in_dim3A_26, %convert_element_type3A_170] : memref<2x3xf32, #tpu.memory_space<vmem>>[vector<16xi32>, vector<16xi32>], vector<16xf32>,
      %swap3A_406 = arith.constant 43 : i32
      %swap3A_407 = arith.index_cast %swap3A_406 : i32 to index
      %swap3A_408 = arith.index_cast %mul3A_115 : i32 to index
      %swap3A_409 = tpu.vector_load %arg35[%swap3A_407, %swap3A_408] {strides = array<i32>} : memref<57x512xf32, #tpu.memory_space<vmem>>, vector<16xf32>,
      tpu.vector_store %arg35[%swap3A_407, %swap3A_408], %gather3A_405 {strides = array<i32>} : memref<57x512xf32, #tpu.memory_space<vmem>>, vector<16xf32>,
      %gather3A_410 = tpu.vector_load_idx %arg30[%broadcast_in_dim3A_24, %convert_element_type3A_175] : memref<2x3xf32, #tpu.memory_space<vmem>>[vector<16xi32>, vector<16xi32>], vector<16xf32>,
      %swap3A_411 = arith.constant 44 : i32
      %swap3A_412 = arith.index_cast %swap3A_411 : i32 to index
      %swap3A_413 = arith.index_cast %mul3A_115 : i32 to index
      %swap3A_414 = tpu.vector_load %arg35[%swap3A_412, %swap3A_413] {strides = array<i32>} : memref<57x512xf32, #tpu.memory_space<vmem>>, vector<16xf32>,
      tpu.vector_store %arg35[%swap3A_412, %swap3A_413], %gather3A_410 {strides = array<i32>} : memref<57x512xf32, #tpu.memory_space<vmem>>, vector<16xf32>,
      %gather3A_415 = tpu.vector_load_idx %arg30[%broadcast_in_dim3A_26, %convert_element_type3A_175] : memref<2x3xf32, #tpu.memory_space<vmem>>[vector<16xi32>, vector<16xi32>], vector<16xf32>,
      %swap3A_416 = arith.constant 45 : i32
      %swap3A_417 = arith.index_cast %swap3A_416 : i32 to index
      %swap3A_418 = arith.index_cast %mul3A_115 : i32 to index
      %swap3A_419 = tpu.vector_load %arg35[%swap3A_417, %swap3A_418] {strides = array<i32>} : memref<57x512xf32, #tpu.memory_space<vmem>>, vector<16xf32>,
      tpu.vector_store %arg35[%swap3A_417, %swap3A_418], %gather3A_415 {strides = array<i32>} : memref<57x512xf32, #tpu.memory_space<vmem>>, vector<16xf32>,
      %gather3A_420 = tpu.vector_load_idx %arg31[%broadcast_in_dim3A_24, %convert_element_type3A_180] : memref<2x3xf32, #tpu.memory_space<vmem>>[vector<16xi32>, vector<16xi32>], vector<16xf32>,
      %swap3A_421 = arith.constant 46 : i32
      %swap3A_422 = arith.index_cast %swap3A_421 : i32 to index
      %swap3A_423 = arith.index_cast %mul3A_115 : i32 to index
      %swap3A_424 = tpu.vector_load %arg35[%swap3A_422, %swap3A_423] {strides = array<i32>} : memref<57x512xf32, #tpu.memory_space<vmem>>, vector<16xf32>,
      tpu.vector_store %arg35[%swap3A_422, %swap3A_423], %gather3A_420 {strides = array<i32>} : memref<57x512xf32, #tpu.memory_space<vmem>>, vector<16xf32>,
      %gather3A_425 = tpu.vector_load_idx %arg31[%broadcast_in_dim3A_26, %convert_element_type3A_180] : memref<2x3xf32, #tpu.memory_space<vmem>>[vector<16xi32>, vector<16xi32>], vector<16xf32>,
      %swap3A_426 = arith.constant 47 : i32
      %swap3A_427 = arith.index_cast %swap3A_426 : i32 to index
      %swap3A_428 = arith.index_cast %mul3A_115 : i32 to index
      %swap3A_429 = tpu.vector_load %arg35[%swap3A_427, %swap3A_428] {strides = array<i32>} : memref<57x512xf32, #tpu.memory_space<vmem>>, vector<16xf32>,
      tpu.vector_store %arg35[%swap3A_427, %swap3A_428], %gather3A_425 {strides = array<i32>} : memref<57x512xf32, #tpu.memory_space<vmem>>, vector<16xf32>,
      %gather3A_430 = tpu.vector_load_idx %arg32[%broadcast_in_dim3A_24, %convert_element_type3A_185] : memref<2x3xf32, #tpu.memory_space<vmem>>[vector<16xi32>, vector<16xi32>], vector<16xf32>,
      %swap3A_431 = arith.constant 48 : i32
      %swap3A_432 = arith.index_cast %swap3A_431 : i32 to index
      %swap3A_433 = arith.index_cast %mul3A_115 : i32 to index
      %swap3A_434 = tpu.vector_load %arg35[%swap3A_432, %swap3A_433] {strides = array<i32>} : memref<57x512xf32, #tpu.memory_space<vmem>>, vector<16xf32>,
      tpu.vector_store %arg35[%swap3A_432, %swap3A_433], %gather3A_430 {strides = array<i32>} : memref<57x512xf32, #tpu.memory_space<vmem>>, vector<16xf32>,
      %gather3A_435 = tpu.vector_load_idx %arg32[%broadcast_in_dim3A_26, %convert_element_type3A_185] : memref<2x3xf32, #tpu.memory_space<vmem>>[vector<16xi32>, vector<16xi32>], vector<16xf32>,
      %swap3A_436 = arith.constant 49 : i32
      %swap3A_437 = arith.index_cast %swap3A_436 : i32 to index
      %swap3A_438 = arith.index_cast %mul3A_115 : i32 to index
      %swap3A_439 = tpu.vector_load %arg35[%swap3A_437, %swap3A_438] {strides = array<i32>} : memref<57x512xf32, #tpu.memory_space<vmem>>, vector<16xf32>,
      tpu.vector_store %arg35[%swap3A_437, %swap3A_438], %gather3A_435 {strides = array<i32>} : memref<57x512xf32, #tpu.memory_space<vmem>>, vector<16xf32>,
      %gather3A_440 = tpu.vector_load_idx %arg33[%broadcast_in_dim3A_24, %convert_element_type3A_190] : memref<2x3xf32, #tpu.memory_space<vmem>>[vector<16xi32>, vector<16xi32>], vector<16xf32>,
      %swap3A_441 = arith.constant 50 : i32
      %swap3A_442 = arith.index_cast %swap3A_441 : i32 to index
      %swap3A_443 = arith.index_cast %mul3A_115 : i32 to index
      %swap3A_444 = tpu.vector_load %arg35[%swap3A_442, %swap3A_443] {strides = array<i32>} : memref<57x512xf32, #tpu.memory_space<vmem>>, vector<16xf32>,
      tpu.vector_store %arg35[%swap3A_442, %swap3A_443], %gather3A_440 {strides = array<i32>} : memref<57x512xf32, #tpu.memory_space<vmem>>, vector<16xf32>,
      %gather3A_445 = tpu.vector_load_idx %arg33[%broadcast_in_dim3A_26, %convert_element_type3A_190] : memref<2x3xf32, #tpu.memory_space<vmem>>[vector<16xi32>, vector<16xi32>], vector<16xf32>,
      %swap3A_446 = arith.constant 51 : i32
      %swap3A_447 = arith.index_cast %swap3A_446 : i32 to index
      %swap3A_448 = arith.index_cast %mul3A_115 : i32 to index
      %swap3A_449 = tpu.vector_load %arg35[%swap3A_447, %swap3A_448] {strides = array<i32>} : memref<57x512xf32, #tpu.memory_space<vmem>>, vector<16xf32>,
      tpu.vector_store %arg35[%swap3A_447, %swap3A_448], %gather3A_445 {strides = array<i32>} : memref<57x512xf32, #tpu.memory_space<vmem>>, vector<16xf32>,
      %gather3A_450 = tpu.vector_load_idx %arg34[%broadcast_in_dim3A_24, %convert_element_type3A_195] : memref<5x10xf32, #tpu.memory_space<vmem>>[vector<16xi32>, vector<16xi32>], vector<16xf32>,
      %swap3A_451 = arith.constant 52 : i32
      %swap3A_452 = arith.index_cast %swap3A_451 : i32 to index
      %swap3A_453 = arith.index_cast %mul3A_115 : i32 to index
      %swap3A_454 = tpu.vector_load %arg35[%swap3A_452, %swap3A_453] {strides = array<i32>} : memref<57x512xf32, #tpu.memory_space<vmem>>, vector<16xf32>,
      tpu.vector_store %arg35[%swap3A_452, %swap3A_453], %gather3A_450 {strides = array<i32>} : memref<57x512xf32, #tpu.memory_space<vmem>>, vector<16xf32>,
      %gather3A_455 = tpu.vector_load_idx %arg34[%broadcast_in_dim3A_26, %convert_element_type3A_195] : memref<5x10xf32, #tpu.memory_space<vmem>>[vector<16xi32>, vector<16xi32>], vector<16xf32>,
      %swap3A_456 = arith.constant 53 : i32
      %swap3A_457 = arith.index_cast %swap3A_456 : i32 to index
      %swap3A_458 = arith.index_cast %mul3A_115 : i32 to index
      %swap3A_459 = tpu.vector_load %arg35[%swap3A_457, %swap3A_458] {strides = array<i32>} : memref<57x512xf32, #tpu.memory_space<vmem>>, vector<16xf32>,
      tpu.vector_store %arg35[%swap3A_457, %swap3A_458], %gather3A_455 {strides = array<i32>} : memref<57x512xf32, #tpu.memory_space<vmem>>, vector<16xf32>,
      %gather3A_460 = tpu.vector_load_idx %arg34[%broadcast_in_dim3A_28, %convert_element_type3A_195] : memref<5x10xf32, #tpu.memory_space<vmem>>[vector<16xi32>, vector<16xi32>], vector<16xf32>,
      %swap3A_461 = arith.constant 54 : i32
      %swap3A_462 = arith.index_cast %swap3A_461 : i32 to index
      %swap3A_463 = arith.index_cast %mul3A_115 : i32 to index
      %swap3A_464 = tpu.vector_load %arg35[%swap3A_462, %swap3A_463] {strides = array<i32>} : memref<57x512xf32, #tpu.memory_space<vmem>>, vector<16xf32>,
      tpu.vector_store %arg35[%swap3A_462, %swap3A_463], %gather3A_460 {strides = array<i32>} : memref<57x512xf32, #tpu.memory_space<vmem>>, vector<16xf32>,
      %gather3A_465 = tpu.vector_load_idx %arg34[%broadcast_in_dim3A_30, %convert_element_type3A_195] : memref<5x10xf32, #tpu.memory_space<vmem>>[vector<16xi32>, vector<16xi32>], vector<16xf32>,
      %swap3A_466 = arith.constant 55 : i32
      %swap3A_467 = arith.index_cast %swap3A_466 : i32 to index
      %swap3A_468 = arith.index_cast %mul3A_115 : i32 to index
      %swap3A_469 = tpu.vector_load %arg35[%swap3A_467, %swap3A_468] {strides = array<i32>} : memref<57x512xf32, #tpu.memory_space<vmem>>, vector<16xf32>,
      tpu.vector_store %arg35[%swap3A_467, %swap3A_468], %gather3A_465 {strides = array<i32>} : memref<57x512xf32, #tpu.memory_space<vmem>>, vector<16xf32>,
      %gather3A_470 = tpu.vector_load_idx %arg34[%broadcast_in_dim3A_32, %convert_element_type3A_195] : memref<5x10xf32, #tpu.memory_space<vmem>>[vector<16xi32>, vector<16xi32>], vector<16xf32>,
      %swap3A_471 = arith.constant 56 : i32
      %swap3A_472 = arith.index_cast %swap3A_471 : i32 to index
      %swap3A_473 = arith.index_cast %mul3A_115 : i32 to index
      %swap3A_474 = tpu.vector_load %arg35[%swap3A_472, %swap3A_473] {strides = array<i32>} : memref<57x512xf32, #tpu.memory_space<vmem>>, vector<16xf32>,
      tpu.vector_store %arg35[%swap3A_472, %swap3A_473], %gather3A_470 {strides = array<i32>} : memref<57x512xf32, #tpu.memory_space<vmem>>, vector<16xf32>,
    }
    %scan3A_55 = arith.constant 16 : i32
    %dma_start3A_56 = arith.constant 0 : i32
    %dma_start3A_57 = arith.constant 0 : i32
    %dma_start3A_58 = tpu.memref_slice %arg35[%dma_start3A_56, %dma_start3A_57] : memref<57x512xf32, #tpu.memory_space<vmem>> -> memref<57x256xf32, #tpu.memory_space<vmem>>
    %dma_start3A_59 = arith.constant 0 : i32
    %dma_start3A_60 = tpu.memref_slice %arg18[%dma_start3A_59, %mul3A_2] : memref<57x16384xf32, #tpu.memory_space<hbm>> -> memref<57x256xf32, #tpu.memory_space<hbm>>
    %dma_start3A_61 = arith.constant 0 : i32
    %dma_start3A_62 = tpu.memref_slice %arg18[%dma_start3A_61, %mul3A_2] : memref<57x16384xf32, #tpu.memory_space<hbm>> -> memref<57x256xf32, #tpu.memory_space<hbm>>
    %dma_start3A_63 = arith.constant 0 : i32
    %dma_start3A_64 = arith.constant 0 : i32
    %dma_start3A_65 = tpu.memref_slice %arg35[%dma_start3A_63, %dma_start3A_64] : memref<57x512xf32, #tpu.memory_space<vmem>> -> memref<57x256xf32, #tpu.memory_space<vmem>>
    tpu.enqueue_dma source(%dma_start3A_65 : memref<57x256xf32, #tpu.memory_space<vmem>>) target(%dma_start3A_62 : memref<57x256xf32, #tpu.memory_space<hbm>>) target_semaphore(%arg38 : memref<!tpu.dma_semaphore, #tpu.memory_space<semaphore_mem>>)
    %dma_wait3A_66 = arith.constant 0 : i32
    %dma_wait3A_67 = arith.constant 256 : i32
    %dma_wait3A_68 = tpu.memref_slice %arg19[%dma_wait3A_66, %dma_wait3A_67] : memref<16x512xf32, #tpu.memory_space<vmem>> -> memref<16x256xf32, #tpu.memory_space<vmem>>
    %dma_wait3A_69 = arith.constant 0 : i32
    %dma_wait3A_70 = tpu.memref_slice %arg2[%dma_wait3A_69, %add3A_13] : memref<16x16384xf32, #tpu.memory_space<hbm>> -> memref<16x256xf32, #tpu.memory_space<hbm>>
    %dma_wait3A_71 = arith.constant 0 : i32
    %dma_wait3A_72 = arith.constant 256 : i32
    %dma_wait3A_73 = tpu.memref_slice %arg19[%dma_wait3A_71, %dma_wait3A_72] : memref<16x512xf32, #tpu.memory_space<vmem>> -> memref<16x256xf32, #tpu.memory_space<vmem>>
    %dma_wait3A_74 = arith.constant 0 : i32
    %dma_wait3A_75 = tpu.memref_slice %arg2[%dma_wait3A_74, %add3A_13] : memref<16x16384xf32, #tpu.memory_space<hbm>> -> memref<16x256xf32, #tpu.memory_space<hbm>>
    tpu.wait_dma2 semaphore(%arg37 : memref<!tpu.dma_semaphore, #tpu.memory_space<semaphore_mem>>) src(%dma_wait3A_75 : memref<16x256xf32, #tpu.memory_space<hbm>>) dst(%dma_wait3A_73 : memref<16x256xf32, #tpu.memory_space<vmem>>)
    %scan3A_76 = arith.constant 16 : i32
    %scan3A_77 = arith.constant 16 : i32
    %scan3A_78 = arith.addi %scan3A_76, %scan3A_77 : i32
    %scan3A_79 = arith.constant 1 : i32
    scf.for %scan3A_113 = %scan3A_76 to %scan3A_78 step %scan3A_79  : i32 {
      %mul3A_114 = arith.constant 16 : i32
      %mul3A_115 = arith.muli %scan3A_113, %mul3A_114 : i32
      %get3A = arith.constant 0 : i32
      %get3A_116 = arith.index_cast %get3A : i32 to index
      %get3A_117 = arith.index_cast %mul3A_115 : i32 to index
      %get3A_118 = tpu.vector_load %arg19[%get3A_116, %get3A_117] {strides = array<i32>} : memref<16x512xf32, #tpu.memory_space<vmem>>, vector<16xf32>,
      %swap3A = arith.constant 0 : i32
      %swap3A_119 = arith.index_cast %swap3A : i32 to index
      %swap3A_120 = arith.index_cast %mul3A_115 : i32 to index
      %swap3A_121 = tpu.vector_load %arg35[%swap3A_119, %swap3A_120] {strides = array<i32>} : memref<57x512xf32, #tpu.memory_space<vmem>>, vector<16xf32>,
      tpu.vector_store %arg35[%swap3A_119, %swap3A_120], %get3A_118 {strides = array<i32>} : memref<57x512xf32, #tpu.memory_space<vmem>>, vector<16xf32>,
      %get3A_122 = arith.constant 1 : i32
      %get3A_123 = arith.index_cast %get3A_122 : i32 to index
      %get3A_124 = arith.index_cast %mul3A_115 : i32 to index
      %get3A_125 = tpu.vector_load %arg19[%get3A_123, %get3A_124] {strides = array<i32>} : memref<16x512xf32, #tpu.memory_space<vmem>>, vector<16xf32>,
      %convert_element_type3A = arith.fptosi %get3A_125 : vector<16xf32> to vector<16xi32>
      %get3A_126 = arith.constant 2 : i32
      %get3A_127 = arith.index_cast %get3A_126 : i32 to index
      %get3A_128 = arith.index_cast %mul3A_115 : i32 to index
      %get3A_129 = tpu.vector_load %arg19[%get3A_127, %get3A_128] {strides = array<i32>} : memref<16x512xf32, #tpu.memory_space<vmem>>, vector<16xf32>,
      %convert_element_type3A_130 = arith.fptosi %get3A_129 : vector<16xf32> to vector<16xi32>
      %get3A_131 = arith.constant 3 : i32
      %get3A_132 = arith.index_cast %get3A_131 : i32 to index
      %get3A_133 = arith.index_cast %mul3A_115 : i32 to index
      %get3A_134 = tpu.vector_load %arg19[%get3A_132, %get3A_133] {strides = array<i32>} : memref<16x512xf32, #tpu.memory_space<vmem>>, vector<16xf32>,
      %convert_element_type3A_135 = arith.fptosi %get3A_134 : vector<16xf32> to vector<16xi32>
      %get3A_136 = arith.constant 4 : i32
      %get3A_137 = arith.index_cast %get3A_136 : i32 to index
      %get3A_138 = arith.index_cast %mul3A_115 : i32 to index
      %get3A_139 = tpu.vector_load %arg19[%get3A_137, %get3A_138] {strides = array<i32>} : memref<16x512xf32, #tpu.memory_space<vmem>>, vector<16xf32>,
      %convert_element_type3A_140 = arith.fptosi %get3A_139 : vector<16xf32> to vector<16xi32>
      %get3A_141 = arith.constant 5 : i32
      %get3A_142 = arith.index_cast %get3A_141 : i32 to index
      %get3A_143 = arith.index_cast %mul3A_115 : i32 to index
      %get3A_144 = tpu.vector_load %arg19[%get3A_142, %get3A_143] {strides = array<i32>} : memref<16x512xf32, #tpu.memory_space<vmem>>, vector<16xf32>,
      %convert_element_type3A_145 = arith.fptosi %get3A_144 : vector<16xf32> to vector<16xi32>
      %get3A_146 = arith.constant 6 : i32
      %get3A_147 = arith.index_cast %get3A_146 : i32 to index
      %get3A_148 = arith.index_cast %mul3A_115 : i32 to index
      %get3A_149 = tpu.vector_load %arg19[%get3A_147, %get3A_148] {strides = array<i32>} : memref<16x512xf32, #tpu.memory_space<vmem>>, vector<16xf32>,
      %convert_element_type3A_150 = arith.fptosi %get3A_149 : vector<16xf32> to vector<16xi32>
      %get3A_151 = arith.constant 7 : i32
      %get3A_152 = arith.index_cast %get3A_151 : i32 to index
      %get3A_153 = arith.index_cast %mul3A_115 : i32 to index
      %get3A_154 = tpu.vector_load %arg19[%get3A_152, %get3A_153] {strides = array<i32>} : memref<16x512xf32, #tpu.memory_space<vmem>>, vector<16xf32>,
      %convert_element_type3A_155 = arith.fptosi %get3A_154 : vector<16xf32> to vector<16xi32>
      %get3A_156 = arith.constant 8 : i32
      %get3A_157 = arith.index_cast %get3A_156 : i32 to index
      %get3A_158 = arith.index_cast %mul3A_115 : i32 to index
      %get3A_159 = tpu.vector_load %arg19[%get3A_157, %get3A_158] {strides = array<i32>} : memref<16x512xf32, #tpu.memory_space<vmem>>, vector<16xf32>,
      %convert_element_type3A_160 = arith.fptosi %get3A_159 : vector<16xf32> to vector<16xi32>
      %get3A_161 = arith.constant 9 : i32
      %get3A_162 = arith.index_cast %get3A_161 : i32 to index
      %get3A_163 = arith.index_cast %mul3A_115 : i32 to index
      %get3A_164 = tpu.vector_load %arg19[%get3A_162, %get3A_163] {strides = array<i32>} : memref<16x512xf32, #tpu.memory_space<vmem>>, vector<16xf32>,
      %convert_element_type3A_165 = arith.fptosi %get3A_164 : vector<16xf32> to vector<16xi32>
      %get3A_166 = arith.constant 10 : i32
      %get3A_167 = arith.index_cast %get3A_166 : i32 to index
      %get3A_168 = arith.index_cast %mul3A_115 : i32 to index
      %get3A_169 = tpu.vector_load %arg19[%get3A_167, %get3A_168] {strides = array<i32>} : memref<16x512xf32, #tpu.memory_space<vmem>>, vector<16xf32>,
      %convert_element_type3A_170 = arith.fptosi %get3A_169 : vector<16xf32> to vector<16xi32>
      %get3A_171 = arith.constant 11 : i32
      %get3A_172 = arith.index_cast %get3A_171 : i32 to index
      %get3A_173 = arith.index_cast %mul3A_115 : i32 to index
      %get3A_174 = tpu.vector_load %arg19[%get3A_172, %get3A_173] {strides = array<i32>} : memref<16x512xf32, #tpu.memory_space<vmem>>, vector<16xf32>,
      %convert_element_type3A_175 = arith.fptosi %get3A_174 : vector<16xf32> to vector<16xi32>
      %get3A_176 = arith.constant 12 : i32
      %get3A_177 = arith.index_cast %get3A_176 : i32 to index
      %get3A_178 = arith.index_cast %mul3A_115 : i32 to index
      %get3A_179 = tpu.vector_load %arg19[%get3A_177, %get3A_178] {strides = array<i32>} : memref<16x512xf32, #tpu.memory_space<vmem>>, vector<16xf32>,
      %convert_element_type3A_180 = arith.fptosi %get3A_179 : vector<16xf32> to vector<16xi32>
      %get3A_181 = arith.constant 13 : i32
      %get3A_182 = arith.index_cast %get3A_181 : i32 to index
      %get3A_183 = arith.index_cast %mul3A_115 : i32 to index
      %get3A_184 = tpu.vector_load %arg19[%get3A_182, %get3A_183] {strides = array<i32>} : memref<16x512xf32, #tpu.memory_space<vmem>>, vector<16xf32>,
      %convert_element_type3A_185 = arith.fptosi %get3A_184 : vector<16xf32> to vector<16xi32>
      %get3A_186 = arith.constant 14 : i32
      %get3A_187 = arith.index_cast %get3A_186 : i32 to index
      %get3A_188 = arith.index_cast %mul3A_115 : i32 to index
      %get3A_189 = tpu.vector_load %arg19[%get3A_187, %get3A_188] {strides = array<i32>} : memref<16x512xf32, #tpu.memory_space<vmem>>, vector<16xf32>,
      %convert_element_type3A_190 = arith.fptosi %get3A_189 : vector<16xf32> to vector<16xi32>
      %get3A_191 = arith.constant 15 : i32
      %get3A_192 = arith.index_cast %get3A_191 : i32 to index
      %get3A_193 = arith.index_cast %mul3A_115 : i32 to index
      %get3A_194 = tpu.vector_load %arg19[%get3A_192, %get3A_193] {strides = array<i32>} : memref<16x512xf32, #tpu.memory_space<vmem>>, vector<16xf32>,
      %convert_element_type3A_195 = arith.fptosi %get3A_194 : vector<16xf32> to vector<16xi32>
      %gather3A = tpu.vector_load_idx %arg20[%broadcast_in_dim3A_24, %convert_element_type3A] : memref<10x25xf32, #tpu.memory_space<vmem>>[vector<16xi32>, vector<16xi32>], vector<16xf32>,
      %swap3A_196 = arith.constant 1 : i32
      %swap3A_197 = arith.index_cast %swap3A_196 : i32 to index
      %swap3A_198 = arith.index_cast %mul3A_115 : i32 to index
      %swap3A_199 = tpu.vector_load %arg35[%swap3A_197, %swap3A_198] {strides = array<i32>} : memref<57x512xf32, #tpu.memory_space<vmem>>, vector<16xf32>,
      tpu.vector_store %arg35[%swap3A_197, %swap3A_198], %gather3A {strides = array<i32>} : memref<57x512xf32, #tpu.memory_space<vmem>>, vector<16xf32>,
      %gather3A_200 = tpu.vector_load_idx %arg20[%broadcast_in_dim3A_26, %convert_element_type3A] : memref<10x25xf32, #tpu.memory_space<vmem>>[vector<16xi32>, vector<16xi32>], vector<16xf32>,
      %swap3A_201 = arith.constant 2 : i32
      %swap3A_202 = arith.index_cast %swap3A_201 : i32 to index
      %swap3A_203 = arith.index_cast %mul3A_115 : i32 to index
      %swap3A_204 = tpu.vector_load %arg35[%swap3A_202, %swap3A_203] {strides = array<i32>} : memref<57x512xf32, #tpu.memory_space<vmem>>, vector<16xf32>,
      tpu.vector_store %arg35[%swap3A_202, %swap3A_203], %gather3A_200 {strides = array<i32>} : memref<57x512xf32, #tpu.memory_space<vmem>>, vector<16xf32>,
      %gather3A_205 = tpu.vector_load_idx %arg20[%broadcast_in_dim3A_28, %convert_element_type3A] : memref<10x25xf32, #tpu.memory_space<vmem>>[vector<16xi32>, vector<16xi32>], vector<16xf32>,
      %swap3A_206 = arith.constant 3 : i32
      %swap3A_207 = arith.index_cast %swap3A_206 : i32 to index
      %swap3A_208 = arith.index_cast %mul3A_115 : i32 to index
      %swap3A_209 = tpu.vector_load %arg35[%swap3A_207, %swap3A_208] {strides = array<i32>} : memref<57x512xf32, #tpu.memory_space<vmem>>, vector<16xf32>,
      tpu.vector_store %arg35[%swap3A_207, %swap3A_208], %gather3A_205 {strides = array<i32>} : memref<57x512xf32, #tpu.memory_space<vmem>>, vector<16xf32>,
      %gather3A_210 = tpu.vector_load_idx %arg20[%broadcast_in_dim3A_30, %convert_element_type3A] : memref<10x25xf32, #tpu.memory_space<vmem>>[vector<16xi32>, vector<16xi32>], vector<16xf32>,
      %swap3A_211 = arith.constant 4 : i32
      %swap3A_212 = arith.index_cast %swap3A_211 : i32 to index
      %swap3A_213 = arith.index_cast %mul3A_115 : i32 to index
      %swap3A_214 = tpu.vector_load %arg35[%swap3A_212, %swap3A_213] {strides = array<i32>} : memref<57x512xf32, #tpu.memory_space<vmem>>, vector<16xf32>,
      tpu.vector_store %arg35[%swap3A_212, %swap3A_213], %gather3A_210 {strides = array<i32>} : memref<57x512xf32, #tpu.memory_space<vmem>>, vector<16xf32>,
      %gather3A_215 = tpu.vector_load_idx %arg20[%broadcast_in_dim3A_32, %convert_element_type3A] : memref<10x25xf32, #tpu.memory_space<vmem>>[vector<16xi32>, vector<16xi32>], vector<16xf32>,
      %swap3A_216 = arith.constant 5 : i32
      %swap3A_217 = arith.index_cast %swap3A_216 : i32 to index
      %swap3A_218 = arith.index_cast %mul3A_115 : i32 to index
      %swap3A_219 = tpu.vector_load %arg35[%swap3A_217, %swap3A_218] {strides = array<i32>} : memref<57x512xf32, #tpu.memory_space<vmem>>, vector<16xf32>,
      tpu.vector_store %arg35[%swap3A_217, %swap3A_218], %gather3A_215 {strides = array<i32>} : memref<57x512xf32, #tpu.memory_space<vmem>>, vector<16xf32>,
      %gather3A_220 = tpu.vector_load_idx %arg20[%broadcast_in_dim3A_34, %convert_element_type3A] : memref<10x25xf32, #tpu.memory_space<vmem>>[vector<16xi32>, vector<16xi32>], vector<16xf32>,
      %swap3A_221 = arith.constant 6 : i32
      %swap3A_222 = arith.index_cast %swap3A_221 : i32 to index
      %swap3A_223 = arith.index_cast %mul3A_115 : i32 to index
      %swap3A_224 = tpu.vector_load %arg35[%swap3A_222, %swap3A_223] {strides = array<i32>} : memref<57x512xf32, #tpu.memory_space<vmem>>, vector<16xf32>,
      tpu.vector_store %arg35[%swap3A_222, %swap3A_223], %gather3A_220 {strides = array<i32>} : memref<57x512xf32, #tpu.memory_space<vmem>>, vector<16xf32>,
      %gather3A_225 = tpu.vector_load_idx %arg20[%broadcast_in_dim3A_36, %convert_element_type3A] : memref<10x25xf32, #tpu.memory_space<vmem>>[vector<16xi32>, vector<16xi32>], vector<16xf32>,
      %swap3A_226 = arith.constant 7 : i32
      %swap3A_227 = arith.index_cast %swap3A_226 : i32 to index
      %swap3A_228 = arith.index_cast %mul3A_115 : i32 to index
      %swap3A_229 = tpu.vector_load %arg35[%swap3A_227, %swap3A_228] {strides = array<i32>} : memref<57x512xf32, #tpu.memory_space<vmem>>, vector<16xf32>,
      tpu.vector_store %arg35[%swap3A_227, %swap3A_228], %gather3A_225 {strides = array<i32>} : memref<57x512xf32, #tpu.memory_space<vmem>>, vector<16xf32>,
      %gather3A_230 = tpu.vector_load_idx %arg20[%broadcast_in_dim3A_38, %convert_element_type3A] : memref<10x25xf32, #tpu.memory_space<vmem>>[vector<16xi32>, vector<16xi32>], vector<16xf32>,
      %swap3A_231 = arith.constant 8 : i32
      %swap3A_232 = arith.index_cast %swap3A_231 : i32 to index
      %swap3A_233 = arith.index_cast %mul3A_115 : i32 to index
      %swap3A_234 = tpu.vector_load %arg35[%swap3A_232, %swap3A_233] {strides = array<i32>} : memref<57x512xf32, #tpu.memory_space<vmem>>, vector<16xf32>,
      tpu.vector_store %arg35[%swap3A_232, %swap3A_233], %gather3A_230 {strides = array<i32>} : memref<57x512xf32, #tpu.memory_space<vmem>>, vector<16xf32>,
      %gather3A_235 = tpu.vector_load_idx %arg20[%broadcast_in_dim3A_40, %convert_element_type3A] : memref<10x25xf32, #tpu.memory_space<vmem>>[vector<16xi32>, vector<16xi32>], vector<16xf32>,
      %swap3A_236 = arith.constant 9 : i32
      %swap3A_237 = arith.index_cast %swap3A_236 : i32 to index
      %swap3A_238 = arith.index_cast %mul3A_115 : i32 to index
      %swap3A_239 = tpu.vector_load %arg35[%swap3A_237, %swap3A_238] {strides = array<i32>} : memref<57x512xf32, #tpu.memory_space<vmem>>, vector<16xf32>,
      tpu.vector_store %arg35[%swap3A_237, %swap3A_238], %gather3A_235 {strides = array<i32>} : memref<57x512xf32, #tpu.memory_space<vmem>>, vector<16xf32>,
      %gather3A_240 = tpu.vector_load_idx %arg20[%broadcast_in_dim3A_42, %convert_element_type3A] : memref<10x25xf32, #tpu.memory_space<vmem>>[vector<16xi32>, vector<16xi32>], vector<16xf32>,
      %swap3A_241 = arith.constant 10 : i32
      %swap3A_242 = arith.index_cast %swap3A_241 : i32 to index
      %swap3A_243 = arith.index_cast %mul3A_115 : i32 to index
      %swap3A_244 = tpu.vector_load %arg35[%swap3A_242, %swap3A_243] {strides = array<i32>} : memref<57x512xf32, #tpu.memory_space<vmem>>, vector<16xf32>,
      tpu.vector_store %arg35[%swap3A_242, %swap3A_243], %gather3A_240 {strides = array<i32>} : memref<57x512xf32, #tpu.memory_space<vmem>>, vector<16xf32>,
      %gather3A_245 = tpu.vector_load_idx %arg21[%broadcast_in_dim3A_24, %convert_element_type3A_130] : memref<3x6xf32, #tpu.memory_space<vmem>>[vector<16xi32>, vector<16xi32>], vector<16xf32>,
      %swap3A_246 = arith.constant 11 : i32
      %swap3A_247 = arith.index_cast %swap3A_246 : i32 to index
      %swap3A_248 = arith.index_cast %mul3A_115 : i32 to index
      %swap3A_249 = tpu.vector_load %arg35[%swap3A_247, %swap3A_248] {strides = array<i32>} : memref<57x512xf32, #tpu.memory_space<vmem>>, vector<16xf32>,
      tpu.vector_store %arg35[%swap3A_247, %swap3A_248], %gather3A_245 {strides = array<i32>} : memref<57x512xf32, #tpu.memory_space<vmem>>, vector<16xf32>,
      %gather3A_250 = tpu.vector_load_idx %arg21[%broadcast_in_dim3A_26, %convert_element_type3A_130] : memref<3x6xf32, #tpu.memory_space<vmem>>[vector<16xi32>, vector<16xi32>], vector<16xf32>,
      %swap3A_251 = arith.constant 12 : i32
      %swap3A_252 = arith.index_cast %swap3A_251 : i32 to index
      %swap3A_253 = arith.index_cast %mul3A_115 : i32 to index
      %swap3A_254 = tpu.vector_load %arg35[%swap3A_252, %swap3A_253] {strides = array<i32>} : memref<57x512xf32, #tpu.memory_space<vmem>>, vector<16xf32>,
      tpu.vector_store %arg35[%swap3A_252, %swap3A_253], %gather3A_250 {strides = array<i32>} : memref<57x512xf32, #tpu.memory_space<vmem>>, vector<16xf32>,
      %gather3A_255 = tpu.vector_load_idx %arg21[%broadcast_in_dim3A_28, %convert_element_type3A_130] : memref<3x6xf32, #tpu.memory_space<vmem>>[vector<16xi32>, vector<16xi32>], vector<16xf32>,
      %swap3A_256 = arith.constant 13 : i32
      %swap3A_257 = arith.index_cast %swap3A_256 : i32 to index
      %swap3A_258 = arith.index_cast %mul3A_115 : i32 to index
      %swap3A_259 = tpu.vector_load %arg35[%swap3A_257, %swap3A_258] {strides = array<i32>} : memref<57x512xf32, #tpu.memory_space<vmem>>, vector<16xf32>,
      tpu.vector_store %arg35[%swap3A_257, %swap3A_258], %gather3A_255 {strides = array<i32>} : memref<57x512xf32, #tpu.memory_space<vmem>>, vector<16xf32>,
      %gather3A_260 = tpu.vector_load_idx %arg22[%broadcast_in_dim3A_24, %convert_element_type3A_135] : memref<9x18xf32, #tpu.memory_space<vmem>>[vector<16xi32>, vector<16xi32>], vector<16xf32>,
      %swap3A_261 = arith.constant 14 : i32
      %swap3A_262 = arith.index_cast %swap3A_261 : i32 to index
      %swap3A_263 = arith.index_cast %mul3A_115 : i32 to index
      %swap3A_264 = tpu.vector_load %arg35[%swap3A_262, %swap3A_263] {strides = array<i32>} : memref<57x512xf32, #tpu.memory_space<vmem>>, vector<16xf32>,
      tpu.vector_store %arg35[%swap3A_262, %swap3A_263], %gather3A_260 {strides = array<i32>} : memref<57x512xf32, #tpu.memory_space<vmem>>, vector<16xf32>,
      %gather3A_265 = tpu.vector_load_idx %arg22[%broadcast_in_dim3A_26, %convert_element_type3A_135] : memref<9x18xf32, #tpu.memory_space<vmem>>[vector<16xi32>, vector<16xi32>], vector<16xf32>,
      %swap3A_266 = arith.constant 15 : i32
      %swap3A_267 = arith.index_cast %swap3A_266 : i32 to index
      %swap3A_268 = arith.index_cast %mul3A_115 : i32 to index
      %swap3A_269 = tpu.vector_load %arg35[%swap3A_267, %swap3A_268] {strides = array<i32>} : memref<57x512xf32, #tpu.memory_space<vmem>>, vector<16xf32>,
      tpu.vector_store %arg35[%swap3A_267, %swap3A_268], %gather3A_265 {strides = array<i32>} : memref<57x512xf32, #tpu.memory_space<vmem>>, vector<16xf32>,
      %gather3A_270 = tpu.vector_load_idx %arg22[%broadcast_in_dim3A_28, %convert_element_type3A_135] : memref<9x18xf32, #tpu.memory_space<vmem>>[vector<16xi32>, vector<16xi32>], vector<16xf32>,
      %swap3A_271 = arith.constant 16 : i32
      %swap3A_272 = arith.index_cast %swap3A_271 : i32 to index
      %swap3A_273 = arith.index_cast %mul3A_115 : i32 to index
      %swap3A_274 = tpu.vector_load %arg35[%swap3A_272, %swap3A_273] {strides = array<i32>} : memref<57x512xf32, #tpu.memory_space<vmem>>, vector<16xf32>,
      tpu.vector_store %arg35[%swap3A_272, %swap3A_273], %gather3A_270 {strides = array<i32>} : memref<57x512xf32, #tpu.memory_space<vmem>>, vector<16xf32>,
      %gather3A_275 = tpu.vector_load_idx %arg22[%broadcast_in_dim3A_30, %convert_element_type3A_135] : memref<9x18xf32, #tpu.memory_space<vmem>>[vector<16xi32>, vector<16xi32>], vector<16xf32>,
      %swap3A_276 = arith.constant 17 : i32
      %swap3A_277 = arith.index_cast %swap3A_276 : i32 to index
      %swap3A_278 = arith.index_cast %mul3A_115 : i32 to index
      %swap3A_279 = tpu.vector_load %arg35[%swap3A_277, %swap3A_278] {strides = array<i32>} : memref<57x512xf32, #tpu.memory_space<vmem>>, vector<16xf32>,
      tpu.vector_store %arg35[%swap3A_277, %swap3A_278], %gather3A_275 {strides = array<i32>} : memref<57x512xf32, #tpu.memory_space<vmem>>, vector<16xf32>,
      %gather3A_280 = tpu.vector_load_idx %arg22[%broadcast_in_dim3A_32, %convert_element_type3A_135] : memref<9x18xf32, #tpu.memory_space<vmem>>[vector<16xi32>, vector<16xi32>], vector<16xf32>,
      %swap3A_281 = arith.constant 18 : i32
      %swap3A_282 = arith.index_cast %swap3A_281 : i32 to index
      %swap3A_283 = arith.index_cast %mul3A_115 : i32 to index
      %swap3A_284 = tpu.vector_load %arg35[%swap3A_282, %swap3A_283] {strides = array<i32>} : memref<57x512xf32, #tpu.memory_space<vmem>>, vector<16xf32>,
      tpu.vector_store %arg35[%swap3A_282, %swap3A_283], %gather3A_280 {strides = array<i32>} : memref<57x512xf32, #tpu.memory_space<vmem>>, vector<16xf32>,
      %gather3A_285 = tpu.vector_load_idx %arg22[%broadcast_in_dim3A_34, %convert_element_type3A_135] : memref<9x18xf32, #tpu.memory_space<vmem>>[vector<16xi32>, vector<16xi32>], vector<16xf32>,
      %swap3A_286 = arith.constant 19 : i32
      %swap3A_287 = arith.index_cast %swap3A_286 : i32 to index
      %swap3A_288 = arith.index_cast %mul3A_115 : i32 to index
      %swap3A_289 = tpu.vector_load %arg35[%swap3A_287, %swap3A_288] {strides = array<i32>} : memref<57x512xf32, #tpu.memory_space<vmem>>, vector<16xf32>,
      tpu.vector_store %arg35[%swap3A_287, %swap3A_288], %gather3A_285 {strides = array<i32>} : memref<57x512xf32, #tpu.memory_space<vmem>>, vector<16xf32>,
      %gather3A_290 = tpu.vector_load_idx %arg22[%broadcast_in_dim3A_36, %convert_element_type3A_135] : memref<9x18xf32, #tpu.memory_space<vmem>>[vector<16xi32>, vector<16xi32>], vector<16xf32>,
      %swap3A_291 = arith.constant 20 : i32
      %swap3A_292 = arith.index_cast %swap3A_291 : i32 to index
      %swap3A_293 = arith.index_cast %mul3A_115 : i32 to index
      %swap3A_294 = tpu.vector_load %arg35[%swap3A_292, %swap3A_293] {strides = array<i32>} : memref<57x512xf32, #tpu.memory_space<vmem>>, vector<16xf32>,
      tpu.vector_store %arg35[%swap3A_292, %swap3A_293], %gather3A_290 {strides = array<i32>} : memref<57x512xf32, #tpu.memory_space<vmem>>, vector<16xf32>,
      %gather3A_295 = tpu.vector_load_idx %arg22[%broadcast_in_dim3A_38, %convert_element_type3A_135] : memref<9x18xf32, #tpu.memory_space<vmem>>[vector<16xi32>, vector<16xi32>], vector<16xf32>,
      %swap3A_296 = arith.constant 21 : i32
      %swap3A_297 = arith.index_cast %swap3A_296 : i32 to index
      %swap3A_298 = arith.index_cast %mul3A_115 : i32 to index
      %swap3A_299 = tpu.vector_load %arg35[%swap3A_297, %swap3A_298] {strides = array<i32>} : memref<57x512xf32, #tpu.memory_space<vmem>>, vector<16xf32>,
      tpu.vector_store %arg35[%swap3A_297, %swap3A_298], %gather3A_295 {strides = array<i32>} : memref<57x512xf32, #tpu.memory_space<vmem>>, vector<16xf32>,
      %gather3A_300 = tpu.vector_load_idx %arg22[%broadcast_in_dim3A_40, %convert_element_type3A_135] : memref<9x18xf32, #tpu.memory_space<vmem>>[vector<16xi32>, vector<16xi32>], vector<16xf32>,
      %swap3A_301 = arith.constant 22 : i32
      %swap3A_302 = arith.index_cast %swap3A_301 : i32 to index
      %swap3A_303 = arith.index_cast %mul3A_115 : i32 to index
      %swap3A_304 = tpu.vector_load %arg35[%swap3A_302, %swap3A_303] {strides = array<i32>} : memref<57x512xf32, #tpu.memory_space<vmem>>, vector<16xf32>,
      tpu.vector_store %arg35[%swap3A_302, %swap3A_303], %gather3A_300 {strides = array<i32>} : memref<57x512xf32, #tpu.memory_space<vmem>>, vector<16xf32>,
      %gather3A_305 = tpu.vector_load_idx %arg23[%broadcast_in_dim3A_24, %convert_element_type3A_140] : memref<3x3xf32, #tpu.memory_space<vmem>>[vector<16xi32>, vector<16xi32>], vector<16xf32>,
      %swap3A_306 = arith.constant 23 : i32
      %swap3A_307 = arith.index_cast %swap3A_306 : i32 to index
      %swap3A_308 = arith.index_cast %mul3A_115 : i32 to index
      %swap3A_309 = tpu.vector_load %arg35[%swap3A_307, %swap3A_308] {strides = array<i32>} : memref<57x512xf32, #tpu.memory_space<vmem>>, vector<16xf32>,
      tpu.vector_store %arg35[%swap3A_307, %swap3A_308], %gather3A_305 {strides = array<i32>} : memref<57x512xf32, #tpu.memory_space<vmem>>, vector<16xf32>,
      %gather3A_310 = tpu.vector_load_idx %arg23[%broadcast_in_dim3A_26, %convert_element_type3A_140] : memref<3x3xf32, #tpu.memory_space<vmem>>[vector<16xi32>, vector<16xi32>], vector<16xf32>,
      %swap3A_311 = arith.constant 24 : i32
      %swap3A_312 = arith.index_cast %swap3A_311 : i32 to index
      %swap3A_313 = arith.index_cast %mul3A_115 : i32 to index
      %swap3A_314 = tpu.vector_load %arg35[%swap3A_312, %swap3A_313] {strides = array<i32>} : memref<57x512xf32, #tpu.memory_space<vmem>>, vector<16xf32>,
      tpu.vector_store %arg35[%swap3A_312, %swap3A_313], %gather3A_310 {strides = array<i32>} : memref<57x512xf32, #tpu.memory_space<vmem>>, vector<16xf32>,
      %gather3A_315 = tpu.vector_load_idx %arg23[%broadcast_in_dim3A_28, %convert_element_type3A_140] : memref<3x3xf32, #tpu.memory_space<vmem>>[vector<16xi32>, vector<16xi32>], vector<16xf32>,
      %swap3A_316 = arith.constant 25 : i32
      %swap3A_317 = arith.index_cast %swap3A_316 : i32 to index
      %swap3A_318 = arith.index_cast %mul3A_115 : i32 to index
      %swap3A_319 = tpu.vector_load %arg35[%swap3A_317, %swap3A_318] {strides = array<i32>} : memref<57x512xf32, #tpu.memory_space<vmem>>, vector<16xf32>,
      tpu.vector_store %arg35[%swap3A_317, %swap3A_318], %gather3A_315 {strides = array<i32>} : memref<57x512xf32, #tpu.memory_space<vmem>>, vector<16xf32>,
      %gather3A_320 = tpu.vector_load_idx %arg24[%broadcast_in_dim3A_24, %convert_element_type3A_145] : memref<5x9xf32, #tpu.memory_space<vmem>>[vector<16xi32>, vector<16xi32>], vector<16xf32>,
      %swap3A_321 = arith.constant 26 : i32
      %swap3A_322 = arith.index_cast %swap3A_321 : i32 to index
      %swap3A_323 = arith.index_cast %mul3A_115 : i32 to index
      %swap3A_324 = tpu.vector_load %arg35[%swap3A_322, %swap3A_323] {strides = array<i32>} : memref<57x512xf32, #tpu.memory_space<vmem>>, vector<16xf32>,
      tpu.vector_store %arg35[%swap3A_322, %swap3A_323], %gather3A_320 {strides = array<i32>} : memref<57x512xf32, #tpu.memory_space<vmem>>, vector<16xf32>,
      %gather3A_325 = tpu.vector_load_idx %arg24[%broadcast_in_dim3A_26, %convert_element_type3A_145] : memref<5x9xf32, #tpu.memory_space<vmem>>[vector<16xi32>, vector<16xi32>], vector<16xf32>,
      %swap3A_326 = arith.constant 27 : i32
      %swap3A_327 = arith.index_cast %swap3A_326 : i32 to index
      %swap3A_328 = arith.index_cast %mul3A_115 : i32 to index
      %swap3A_329 = tpu.vector_load %arg35[%swap3A_327, %swap3A_328] {strides = array<i32>} : memref<57x512xf32, #tpu.memory_space<vmem>>, vector<16xf32>,
      tpu.vector_store %arg35[%swap3A_327, %swap3A_328], %gather3A_325 {strides = array<i32>} : memref<57x512xf32, #tpu.memory_space<vmem>>, vector<16xf32>,
      %gather3A_330 = tpu.vector_load_idx %arg24[%broadcast_in_dim3A_28, %convert_element_type3A_145] : memref<5x9xf32, #tpu.memory_space<vmem>>[vector<16xi32>, vector<16xi32>], vector<16xf32>,
      %swap3A_331 = arith.constant 28 : i32
      %swap3A_332 = arith.index_cast %swap3A_331 : i32 to index
      %swap3A_333 = arith.index_cast %mul3A_115 : i32 to index
      %swap3A_334 = tpu.vector_load %arg35[%swap3A_332, %swap3A_333] {strides = array<i32>} : memref<57x512xf32, #tpu.memory_space<vmem>>, vector<16xf32>,
      tpu.vector_store %arg35[%swap3A_332, %swap3A_333], %gather3A_330 {strides = array<i32>} : memref<57x512xf32, #tpu.memory_space<vmem>>, vector<16xf32>,
      %gather3A_335 = tpu.vector_load_idx %arg24[%broadcast_in_dim3A_30, %convert_element_type3A_145] : memref<5x9xf32, #tpu.memory_space<vmem>>[vector<16xi32>, vector<16xi32>], vector<16xf32>,
      %swap3A_336 = arith.constant 29 : i32
      %swap3A_337 = arith.index_cast %swap3A_336 : i32 to index
      %swap3A_338 = arith.index_cast %mul3A_115 : i32 to index
      %swap3A_339 = tpu.vector_load %arg35[%swap3A_337, %swap3A_338] {strides = array<i32>} : memref<57x512xf32, #tpu.memory_space<vmem>>, vector<16xf32>,
      tpu.vector_store %arg35[%swap3A_337, %swap3A_338], %gather3A_335 {strides = array<i32>} : memref<57x512xf32, #tpu.memory_space<vmem>>, vector<16xf32>,
      %gather3A_340 = tpu.vector_load_idx %arg24[%broadcast_in_dim3A_32, %convert_element_type3A_145] : memref<5x9xf32, #tpu.memory_space<vmem>>[vector<16xi32>, vector<16xi32>], vector<16xf32>,
      %swap3A_341 = arith.constant 30 : i32
      %swap3A_342 = arith.index_cast %swap3A_341 : i32 to index
      %swap3A_343 = arith.index_cast %mul3A_115 : i32 to index
      %swap3A_344 = tpu.vector_load %arg35[%swap3A_342, %swap3A_343] {strides = array<i32>} : memref<57x512xf32, #tpu.memory_space<vmem>>, vector<16xf32>,
      tpu.vector_store %arg35[%swap3A_342, %swap3A_343], %gather3A_340 {strides = array<i32>} : memref<57x512xf32, #tpu.memory_space<vmem>>, vector<16xf32>,
      %gather3A_345 = tpu.vector_load_idx %arg25[%broadcast_in_dim3A_24, %convert_element_type3A_150] : memref<3x6xf32, #tpu.memory_space<vmem>>[vector<16xi32>, vector<16xi32>], vector<16xf32>,
      %swap3A_346 = arith.constant 31 : i32
      %swap3A_347 = arith.index_cast %swap3A_346 : i32 to index
      %swap3A_348 = arith.index_cast %mul3A_115 : i32 to index
      %swap3A_349 = tpu.vector_load %arg35[%swap3A_347, %swap3A_348] {strides = array<i32>} : memref<57x512xf32, #tpu.memory_space<vmem>>, vector<16xf32>,
      tpu.vector_store %arg35[%swap3A_347, %swap3A_348], %gather3A_345 {strides = array<i32>} : memref<57x512xf32, #tpu.memory_space<vmem>>, vector<16xf32>,
      %gather3A_350 = tpu.vector_load_idx %arg25[%broadcast_in_dim3A_26, %convert_element_type3A_150] : memref<3x6xf32, #tpu.memory_space<vmem>>[vector<16xi32>, vector<16xi32>], vector<16xf32>,
      %swap3A_351 = arith.constant 32 : i32
      %swap3A_352 = arith.index_cast %swap3A_351 : i32 to index
      %swap3A_353 = arith.index_cast %mul3A_115 : i32 to index
      %swap3A_354 = tpu.vector_load %arg35[%swap3A_352, %swap3A_353] {strides = array<i32>} : memref<57x512xf32, #tpu.memory_space<vmem>>, vector<16xf32>,
      tpu.vector_store %arg35[%swap3A_352, %swap3A_353], %gather3A_350 {strides = array<i32>} : memref<57x512xf32, #tpu.memory_space<vmem>>, vector<16xf32>,
      %gather3A_355 = tpu.vector_load_idx %arg25[%broadcast_in_dim3A_28, %convert_element_type3A_150] : memref<3x6xf32, #tpu.memory_space<vmem>>[vector<16xi32>, vector<16xi32>], vector<16xf32>,
      %swap3A_356 = arith.constant 33 : i32
      %swap3A_357 = arith.index_cast %swap3A_356 : i32 to index
      %swap3A_358 = arith.index_cast %mul3A_115 : i32 to index
      %swap3A_359 = tpu.vector_load %arg35[%swap3A_357, %swap3A_358] {strides = array<i32>} : memref<57x512xf32, #tpu.memory_space<vmem>>, vector<16xf32>,
      tpu.vector_store %arg35[%swap3A_357, %swap3A_358], %gather3A_355 {strides = array<i32>} : memref<57x512xf32, #tpu.memory_space<vmem>>, vector<16xf32>,
      %gather3A_360 = tpu.vector_load_idx %arg26[%broadcast_in_dim3A_24, %convert_element_type3A_155] : memref<2x4xf32, #tpu.memory_space<vmem>>[vector<16xi32>, vector<16xi32>], vector<16xf32>,
      %swap3A_361 = arith.constant 34 : i32
      %swap3A_362 = arith.index_cast %swap3A_361 : i32 to index
      %swap3A_363 = arith.index_cast %mul3A_115 : i32 to index
      %swap3A_364 = tpu.vector_load %arg35[%swap3A_362, %swap3A_363] {strides = array<i32>} : memref<57x512xf32, #tpu.memory_space<vmem>>, vector<16xf32>,
      tpu.vector_store %arg35[%swap3A_362, %swap3A_363], %gather3A_360 {strides = array<i32>} : memref<57x512xf32, #tpu.memory_space<vmem>>, vector<16xf32>,
      %gather3A_365 = tpu.vector_load_idx %arg26[%broadcast_in_dim3A_26, %convert_element_type3A_155] : memref<2x4xf32, #tpu.memory_space<vmem>>[vector<16xi32>, vector<16xi32>], vector<16xf32>,
      %swap3A_366 = arith.constant 35 : i32
      %swap3A_367 = arith.index_cast %swap3A_366 : i32 to index
      %swap3A_368 = arith.index_cast %mul3A_115 : i32 to index
      %swap3A_369 = tpu.vector_load %arg35[%swap3A_367, %swap3A_368] {strides = array<i32>} : memref<57x512xf32, #tpu.memory_space<vmem>>, vector<16xf32>,
      tpu.vector_store %arg35[%swap3A_367, %swap3A_368], %gather3A_365 {strides = array<i32>} : memref<57x512xf32, #tpu.memory_space<vmem>>, vector<16xf32>,
      %gather3A_370 = tpu.vector_load_idx %arg27[%broadcast_in_dim3A_24, %convert_element_type3A_160] : memref<3x5xf32, #tpu.memory_space<vmem>>[vector<16xi32>, vector<16xi32>], vector<16xf32>,
      %swap3A_371 = arith.constant 36 : i32
      %swap3A_372 = arith.index_cast %swap3A_371 : i32 to index
      %swap3A_373 = arith.index_cast %mul3A_115 : i32 to index
      %swap3A_374 = tpu.vector_load %arg35[%swap3A_372, %swap3A_373] {strides = array<i32>} : memref<57x512xf32, #tpu.memory_space<vmem>>, vector<16xf32>,
      tpu.vector_store %arg35[%swap3A_372, %swap3A_373], %gather3A_370 {strides = array<i32>} : memref<57x512xf32, #tpu.memory_space<vmem>>, vector<16xf32>,
      %gather3A_375 = tpu.vector_load_idx %arg27[%broadcast_in_dim3A_26, %convert_element_type3A_160] : memref<3x5xf32, #tpu.memory_space<vmem>>[vector<16xi32>, vector<16xi32>], vector<16xf32>,
      %swap3A_376 = arith.constant 37 : i32
      %swap3A_377 = arith.index_cast %swap3A_376 : i32 to index
      %swap3A_378 = arith.index_cast %mul3A_115 : i32 to index
      %swap3A_379 = tpu.vector_load %arg35[%swap3A_377, %swap3A_378] {strides = array<i32>} : memref<57x512xf32, #tpu.memory_space<vmem>>, vector<16xf32>,
      tpu.vector_store %arg35[%swap3A_377, %swap3A_378], %gather3A_375 {strides = array<i32>} : memref<57x512xf32, #tpu.memory_space<vmem>>, vector<16xf32>,
      %gather3A_380 = tpu.vector_load_idx %arg27[%broadcast_in_dim3A_28, %convert_element_type3A_160] : memref<3x5xf32, #tpu.memory_space<vmem>>[vector<16xi32>, vector<16xi32>], vector<16xf32>,
      %swap3A_381 = arith.constant 38 : i32
      %swap3A_382 = arith.index_cast %swap3A_381 : i32 to index
      %swap3A_383 = arith.index_cast %mul3A_115 : i32 to index
      %swap3A_384 = tpu.vector_load %arg35[%swap3A_382, %swap3A_383] {strides = array<i32>} : memref<57x512xf32, #tpu.memory_space<vmem>>, vector<16xf32>,
      tpu.vector_store %arg35[%swap3A_382, %swap3A_383], %gather3A_380 {strides = array<i32>} : memref<57x512xf32, #tpu.memory_space<vmem>>, vector<16xf32>,
      %gather3A_385 = tpu.vector_load_idx %arg28[%broadcast_in_dim3A_24, %convert_element_type3A_165] : memref<3x5xf32, #tpu.memory_space<vmem>>[vector<16xi32>, vector<16xi32>], vector<16xf32>,
      %swap3A_386 = arith.constant 39 : i32
      %swap3A_387 = arith.index_cast %swap3A_386 : i32 to index
      %swap3A_388 = arith.index_cast %mul3A_115 : i32 to index
      %swap3A_389 = tpu.vector_load %arg35[%swap3A_387, %swap3A_388] {strides = array<i32>} : memref<57x512xf32, #tpu.memory_space<vmem>>, vector<16xf32>,
      tpu.vector_store %arg35[%swap3A_387, %swap3A_388], %gather3A_385 {strides = array<i32>} : memref<57x512xf32, #tpu.memory_space<vmem>>, vector<16xf32>,
      %gather3A_390 = tpu.vector_load_idx %arg28[%broadcast_in_dim3A_26, %convert_element_type3A_165] : memref<3x5xf32, #tpu.memory_space<vmem>>[vector<16xi32>, vector<16xi32>], vector<16xf32>,
      %swap3A_391 = arith.constant 40 : i32
      %swap3A_392 = arith.index_cast %swap3A_391 : i32 to index
      %swap3A_393 = arith.index_cast %mul3A_115 : i32 to index
      %swap3A_394 = tpu.vector_load %arg35[%swap3A_392, %swap3A_393] {strides = array<i32>} : memref<57x512xf32, #tpu.memory_space<vmem>>, vector<16xf32>,
      tpu.vector_store %arg35[%swap3A_392, %swap3A_393], %gather3A_390 {strides = array<i32>} : memref<57x512xf32, #tpu.memory_space<vmem>>, vector<16xf32>,
      %gather3A_395 = tpu.vector_load_idx %arg28[%broadcast_in_dim3A_28, %convert_element_type3A_165] : memref<3x5xf32, #tpu.memory_space<vmem>>[vector<16xi32>, vector<16xi32>], vector<16xf32>,
      %swap3A_396 = arith.constant 41 : i32
      %swap3A_397 = arith.index_cast %swap3A_396 : i32 to index
      %swap3A_398 = arith.index_cast %mul3A_115 : i32 to index
      %swap3A_399 = tpu.vector_load %arg35[%swap3A_397, %swap3A_398] {strides = array<i32>} : memref<57x512xf32, #tpu.memory_space<vmem>>, vector<16xf32>,
      tpu.vector_store %arg35[%swap3A_397, %swap3A_398], %gather3A_395 {strides = array<i32>} : memref<57x512xf32, #tpu.memory_space<vmem>>, vector<16xf32>,
      %gather3A_400 = tpu.vector_load_idx %arg29[%broadcast_in_dim3A_24, %convert_element_type3A_170] : memref<2x3xf32, #tpu.memory_space<vmem>>[vector<16xi32>, vector<16xi32>], vector<16xf32>,
      %swap3A_401 = arith.constant 42 : i32
      %swap3A_402 = arith.index_cast %swap3A_401 : i32 to index
      %swap3A_403 = arith.index_cast %mul3A_115 : i32 to index
      %swap3A_404 = tpu.vector_load %arg35[%swap3A_402, %swap3A_403] {strides = array<i32>} : memref<57x512xf32, #tpu.memory_space<vmem>>, vector<16xf32>,
      tpu.vector_store %arg35[%swap3A_402, %swap3A_403], %gather3A_400 {strides = array<i32>} : memref<57x512xf32, #tpu.memory_space<vmem>>, vector<16xf32>,
      %gather3A_405 = tpu.vector_load_idx %arg29[%broadcast_in_dim3A_26, %convert_element_type3A_170] : memref<2x3xf32, #tpu.memory_space<vmem>>[vector<16xi32>, vector<16xi32>], vector<16xf32>,
      %swap3A_406 = arith.constant 43 : i32
      %swap3A_407 = arith.index_cast %swap3A_406 : i32 to index
      %swap3A_408 = arith.index_cast %mul3A_115 : i32 to index
      %swap3A_409 = tpu.vector_load %arg35[%swap3A_407, %swap3A_408] {strides = array<i32>} : memref<57x512xf32, #tpu.memory_space<vmem>>, vector<16xf32>,
      tpu.vector_store %arg35[%swap3A_407, %swap3A_408], %gather3A_405 {strides = array<i32>} : memref<57x512xf32, #tpu.memory_space<vmem>>, vector<16xf32>,
      %gather3A_410 = tpu.vector_load_idx %arg30[%broadcast_in_dim3A_24, %convert_element_type3A_175] : memref<2x3xf32, #tpu.memory_space<vmem>>[vector<16xi32>, vector<16xi32>], vector<16xf32>,
      %swap3A_411 = arith.constant 44 : i32
      %swap3A_412 = arith.index_cast %swap3A_411 : i32 to index
      %swap3A_413 = arith.index_cast %mul3A_115 : i32 to index
      %swap3A_414 = tpu.vector_load %arg35[%swap3A_412, %swap3A_413] {strides = array<i32>} : memref<57x512xf32, #tpu.memory_space<vmem>>, vector<16xf32>,
      tpu.vector_store %arg35[%swap3A_412, %swap3A_413], %gather3A_410 {strides = array<i32>} : memref<57x512xf32, #tpu.memory_space<vmem>>, vector<16xf32>,
      %gather3A_415 = tpu.vector_load_idx %arg30[%broadcast_in_dim3A_26, %convert_element_type3A_175] : memref<2x3xf32, #tpu.memory_space<vmem>>[vector<16xi32>, vector<16xi32>], vector<16xf32>,
      %swap3A_416 = arith.constant 45 : i32
      %swap3A_417 = arith.index_cast %swap3A_416 : i32 to index
      %swap3A_418 = arith.index_cast %mul3A_115 : i32 to index
      %swap3A_419 = tpu.vector_load %arg35[%swap3A_417, %swap3A_418] {strides = array<i32>} : memref<57x512xf32, #tpu.memory_space<vmem>>, vector<16xf32>,
      tpu.vector_store %arg35[%swap3A_417, %swap3A_418], %gather3A_415 {strides = array<i32>} : memref<57x512xf32, #tpu.memory_space<vmem>>, vector<16xf32>,
      %gather3A_420 = tpu.vector_load_idx %arg31[%broadcast_in_dim3A_24, %convert_element_type3A_180] : memref<2x3xf32, #tpu.memory_space<vmem>>[vector<16xi32>, vector<16xi32>], vector<16xf32>,
      %swap3A_421 = arith.constant 46 : i32
      %swap3A_422 = arith.index_cast %swap3A_421 : i32 to index
      %swap3A_423 = arith.index_cast %mul3A_115 : i32 to index
      %swap3A_424 = tpu.vector_load %arg35[%swap3A_422, %swap3A_423] {strides = array<i32>} : memref<57x512xf32, #tpu.memory_space<vmem>>, vector<16xf32>,
      tpu.vector_store %arg35[%swap3A_422, %swap3A_423], %gather3A_420 {strides = array<i32>} : memref<57x512xf32, #tpu.memory_space<vmem>>, vector<16xf32>,
      %gather3A_425 = tpu.vector_load_idx %arg31[%broadcast_in_dim3A_26, %convert_element_type3A_180] : memref<2x3xf32, #tpu.memory_space<vmem>>[vector<16xi32>, vector<16xi32>], vector<16xf32>,
      %swap3A_426 = arith.constant 47 : i32
      %swap3A_427 = arith.index_cast %swap3A_426 : i32 to index
      %swap3A_428 = arith.index_cast %mul3A_115 : i32 to index
      %swap3A_429 = tpu.vector_load %arg35[%swap3A_427, %swap3A_428] {strides = array<i32>} : memref<57x512xf32, #tpu.memory_space<vmem>>, vector<16xf32>,
      tpu.vector_store %arg35[%swap3A_427, %swap3A_428], %gather3A_425 {strides = array<i32>} : memref<57x512xf32, #tpu.memory_space<vmem>>, vector<16xf32>,
      %gather3A_430 = tpu.vector_load_idx %arg32[%broadcast_in_dim3A_24, %convert_element_type3A_185] : memref<2x3xf32, #tpu.memory_space<vmem>>[vector<16xi32>, vector<16xi32>], vector<16xf32>,
      %swap3A_431 = arith.constant 48 : i32
      %swap3A_432 = arith.index_cast %swap3A_431 : i32 to index
      %swap3A_433 = arith.index_cast %mul3A_115 : i32 to index
      %swap3A_434 = tpu.vector_load %arg35[%swap3A_432, %swap3A_433] {strides = array<i32>} : memref<57x512xf32, #tpu.memory_space<vmem>>, vector<16xf32>,
      tpu.vector_store %arg35[%swap3A_432, %swap3A_433], %gather3A_430 {strides = array<i32>} : memref<57x512xf32, #tpu.memory_space<vmem>>, vector<16xf32>,
      %gather3A_435 = tpu.vector_load_idx %arg32[%broadcast_in_dim3A_26, %convert_element_type3A_185] : memref<2x3xf32, #tpu.memory_space<vmem>>[vector<16xi32>, vector<16xi32>], vector<16xf32>,
      %swap3A_436 = arith.constant 49 : i32
      %swap3A_437 = arith.index_cast %swap3A_436 : i32 to index
      %swap3A_438 = arith.index_cast %mul3A_115 : i32 to index
      %swap3A_439 = tpu.vector_load %arg35[%swap3A_437, %swap3A_438] {strides = array<i32>} : memref<57x512xf32, #tpu.memory_space<vmem>>, vector<16xf32>,
      tpu.vector_store %arg35[%swap3A_437, %swap3A_438], %gather3A_435 {strides = array<i32>} : memref<57x512xf32, #tpu.memory_space<vmem>>, vector<16xf32>,
      %gather3A_440 = tpu.vector_load_idx %arg33[%broadcast_in_dim3A_24, %convert_element_type3A_190] : memref<2x3xf32, #tpu.memory_space<vmem>>[vector<16xi32>, vector<16xi32>], vector<16xf32>,
      %swap3A_441 = arith.constant 50 : i32
      %swap3A_442 = arith.index_cast %swap3A_441 : i32 to index
      %swap3A_443 = arith.index_cast %mul3A_115 : i32 to index
      %swap3A_444 = tpu.vector_load %arg35[%swap3A_442, %swap3A_443] {strides = array<i32>} : memref<57x512xf32, #tpu.memory_space<vmem>>, vector<16xf32>,
      tpu.vector_store %arg35[%swap3A_442, %swap3A_443], %gather3A_440 {strides = array<i32>} : memref<57x512xf32, #tpu.memory_space<vmem>>, vector<16xf32>,
      %gather3A_445 = tpu.vector_load_idx %arg33[%broadcast_in_dim3A_26, %convert_element_type3A_190] : memref<2x3xf32, #tpu.memory_space<vmem>>[vector<16xi32>, vector<16xi32>], vector<16xf32>,
      %swap3A_446 = arith.constant 51 : i32
      %swap3A_447 = arith.index_cast %swap3A_446 : i32 to index
      %swap3A_448 = arith.index_cast %mul3A_115 : i32 to index
      %swap3A_449 = tpu.vector_load %arg35[%swap3A_447, %swap3A_448] {strides = array<i32>} : memref<57x512xf32, #tpu.memory_space<vmem>>, vector<16xf32>,
      tpu.vector_store %arg35[%swap3A_447, %swap3A_448], %gather3A_445 {strides = array<i32>} : memref<57x512xf32, #tpu.memory_space<vmem>>, vector<16xf32>,
      %gather3A_450 = tpu.vector_load_idx %arg34[%broadcast_in_dim3A_24, %convert_element_type3A_195] : memref<5x10xf32, #tpu.memory_space<vmem>>[vector<16xi32>, vector<16xi32>], vector<16xf32>,
      %swap3A_451 = arith.constant 52 : i32
      %swap3A_452 = arith.index_cast %swap3A_451 : i32 to index
      %swap3A_453 = arith.index_cast %mul3A_115 : i32 to index
      %swap3A_454 = tpu.vector_load %arg35[%swap3A_452, %swap3A_453] {strides = array<i32>} : memref<57x512xf32, #tpu.memory_space<vmem>>, vector<16xf32>,
      tpu.vector_store %arg35[%swap3A_452, %swap3A_453], %gather3A_450 {strides = array<i32>} : memref<57x512xf32, #tpu.memory_space<vmem>>, vector<16xf32>,
      %gather3A_455 = tpu.vector_load_idx %arg34[%broadcast_in_dim3A_26, %convert_element_type3A_195] : memref<5x10xf32, #tpu.memory_space<vmem>>[vector<16xi32>, vector<16xi32>], vector<16xf32>,
      %swap3A_456 = arith.constant 53 : i32
      %swap3A_457 = arith.index_cast %swap3A_456 : i32 to index
      %swap3A_458 = arith.index_cast %mul3A_115 : i32 to index
      %swap3A_459 = tpu.vector_load %arg35[%swap3A_457, %swap3A_458] {strides = array<i32>} : memref<57x512xf32, #tpu.memory_space<vmem>>, vector<16xf32>,
      tpu.vector_store %arg35[%swap3A_457, %swap3A_458], %gather3A_455 {strides = array<i32>} : memref<57x512xf32, #tpu.memory_space<vmem>>, vector<16xf32>,
      %gather3A_460 = tpu.vector_load_idx %arg34[%broadcast_in_dim3A_28, %convert_element_type3A_195] : memref<5x10xf32, #tpu.memory_space<vmem>>[vector<16xi32>, vector<16xi32>], vector<16xf32>,
      %swap3A_461 = arith.constant 54 : i32
      %swap3A_462 = arith.index_cast %swap3A_461 : i32 to index
      %swap3A_463 = arith.index_cast %mul3A_115 : i32 to index
      %swap3A_464 = tpu.vector_load %arg35[%swap3A_462, %swap3A_463] {strides = array<i32>} : memref<57x512xf32, #tpu.memory_space<vmem>>, vector<16xf32>,
      tpu.vector_store %arg35[%swap3A_462, %swap3A_463], %gather3A_460 {strides = array<i32>} : memref<57x512xf32, #tpu.memory_space<vmem>>, vector<16xf32>,
      %gather3A_465 = tpu.vector_load_idx %arg34[%broadcast_in_dim3A_30, %convert_element_type3A_195] : memref<5x10xf32, #tpu.memory_space<vmem>>[vector<16xi32>, vector<16xi32>], vector<16xf32>,
      %swap3A_466 = arith.constant 55 : i32
      %swap3A_467 = arith.index_cast %swap3A_466 : i32 to index
      %swap3A_468 = arith.index_cast %mul3A_115 : i32 to index
      %swap3A_469 = tpu.vector_load %arg35[%swap3A_467, %swap3A_468] {strides = array<i32>} : memref<57x512xf32, #tpu.memory_space<vmem>>, vector<16xf32>,
      tpu.vector_store %arg35[%swap3A_467, %swap3A_468], %gather3A_465 {strides = array<i32>} : memref<57x512xf32, #tpu.memory_space<vmem>>, vector<16xf32>,
      %gather3A_470 = tpu.vector_load_idx %arg34[%broadcast_in_dim3A_32, %convert_element_type3A_195] : memref<5x10xf32, #tpu.memory_space<vmem>>[vector<16xi32>, vector<16xi32>], vector<16xf32>,
      %swap3A_471 = arith.constant 56 : i32
      %swap3A_472 = arith.index_cast %swap3A_471 : i32 to index
      %swap3A_473 = arith.index_cast %mul3A_115 : i32 to index
      %swap3A_474 = tpu.vector_load %arg35[%swap3A_472, %swap3A_473] {strides = array<i32>} : memref<57x512xf32, #tpu.memory_space<vmem>>, vector<16xf32>,
      tpu.vector_store %arg35[%swap3A_472, %swap3A_473], %gather3A_470 {strides = array<i32>} : memref<57x512xf32, #tpu.memory_space<vmem>>, vector<16xf32>,
    }
    %scan3A_80 = arith.constant 16 : i32
    %add3A_81 = arith.constant 256 : i32
    %add3A_82 = arith.addi %mul3A_2, %add3A_81 : i32
    %dma_start3A_83 = arith.constant 0 : i32
    %dma_start3A_84 = arith.constant 256 : i32
    %dma_start3A_85 = tpu.memref_slice %arg35[%dma_start3A_83, %dma_start3A_84] : memref<57x512xf32, #tpu.memory_space<vmem>> -> memref<57x256xf32, #tpu.memory_space<vmem>>
    %dma_start3A_86 = arith.constant 0 : i32
    %dma_start3A_87 = tpu.memref_slice %arg18[%dma_start3A_86, %add3A_82] : memref<57x16384xf32, #tpu.memory_space<hbm>> -> memref<57x256xf32, #tpu.memory_space<hbm>>
    %dma_start3A_88 = arith.constant 0 : i32
    %dma_start3A_89 = tpu.memref_slice %arg18[%dma_start3A_88, %add3A_82] : memref<57x16384xf32, #tpu.memory_space<hbm>> -> memref<57x256xf32, #tpu.memory_space<hbm>>
    %dma_start3A_90 = arith.constant 0 : i32
    %dma_start3A_91 = arith.constant 256 : i32
    %dma_start3A_92 = tpu.memref_slice %arg35[%dma_start3A_90, %dma_start3A_91] : memref<57x512xf32, #tpu.memory_space<vmem>> -> memref<57x256xf32, #tpu.memory_space<vmem>>
    tpu.enqueue_dma source(%dma_start3A_92 : memref<57x256xf32, #tpu.memory_space<vmem>>) target(%dma_start3A_89 : memref<57x256xf32, #tpu.memory_space<hbm>>) target_semaphore(%arg38 : memref<!tpu.dma_semaphore, #tpu.memory_space<semaphore_mem>>)
    %dma_wait3A_93 = arith.constant 0 : i32
    %dma_wait3A_94 = arith.constant 0 : i32
    %dma_wait3A_95 = tpu.memref_slice %arg35[%dma_wait3A_93, %dma_wait3A_94] : memref<57x512xf32, #tpu.memory_space<vmem>> -> memref<57x256xf32, #tpu.memory_space<vmem>>
    %dma_wait3A_96 = arith.constant 0 : i32
    %dma_wait3A_97 = tpu.memref_slice %arg18[%dma_wait3A_96, %mul3A_2] : memref<57x16384xf32, #tpu.memory_space<hbm>> -> memref<57x256xf32, #tpu.memory_space<hbm>>
    %dma_wait3A_98 = arith.constant 0 : i32
    %dma_wait3A_99 = tpu.memref_slice %arg18[%dma_wait3A_98, %mul3A_2] : memref<57x16384xf32, #tpu.memory_space<hbm>> -> memref<57x256xf32, #tpu.memory_space<hbm>>
    %dma_wait3A_100 = arith.constant 0 : i32
    %dma_wait3A_101 = arith.constant 0 : i32
    %dma_wait3A_102 = tpu.memref_slice %arg35[%dma_wait3A_100, %dma_wait3A_101] : memref<57x512xf32, #tpu.memory_space<vmem>> -> memref<57x256xf32, #tpu.memory_space<vmem>>
    tpu.wait_dma2 semaphore(%arg38 : memref<!tpu.dma_semaphore, #tpu.memory_space<semaphore_mem>>) src(%dma_wait3A_102 : memref<57x256xf32, #tpu.memory_space<vmem>>) dst(%dma_wait3A_99 : memref<57x256xf32, #tpu.memory_space<hbm>>)
    %dma_wait3A_103 = arith.constant 0 : i32
    %dma_wait3A_104 = arith.constant 256 : i32
    %dma_wait3A_105 = tpu.memref_slice %arg35[%dma_wait3A_103, %dma_wait3A_104] : memref<57x512xf32, #tpu.memory_space<vmem>> -> memref<57x256xf32, #tpu.memory_space<vmem>>
    %dma_wait3A_106 = arith.constant 0 : i32
    %dma_wait3A_107 = tpu.memref_slice %arg18[%dma_wait3A_106, %add3A_82] : memref<57x16384xf32, #tpu.memory_space<hbm>> -> memref<57x256xf32, #tpu.memory_space<hbm>>
    %dma_wait3A_108 = arith.constant 0 : i32
    %dma_wait3A_109 = tpu.memref_slice %arg18[%dma_wait3A_108, %add3A_82] : memref<57x16384xf32, #tpu.memory_space<hbm>> -> memref<57x256xf32, #tpu.memory_space<hbm>>
    %dma_wait3A_110 = arith.constant 0 : i32
    %dma_wait3A_111 = arith.constant 256 : i32
    %dma_wait3A_112 = tpu.memref_slice %arg35[%dma_wait3A_110, %dma_wait3A_111] : memref<57x512xf32, #tpu.memory_space<vmem>> -> memref<57x256xf32, #tpu.memory_space<vmem>>
    tpu.wait_dma2 semaphore(%arg38 : memref<!tpu.dma_semaphore, #tpu.memory_space<semaphore_mem>>) src(%dma_wait3A_112 : memref<57x256xf32, #tpu.memory_space<vmem>>) dst(%dma_wait3A_109 : memref<57x256xf32, #tpu.memory_space<hbm>>)
    return
  }
}

</mosaic_0001>

<sc_bundles>
// kernel: kernel.3.cloned.1.call-start
scs
__scs_entry_jumppad:
0x0: {  	(pc) =	sbr.rel $0x88, $3  }
0x1: {  	(tag) =	ssettag $0x0;
	lr =	simm.s32 $0x1  }
0x2: {  	[smem:$0x3F91] =	sst lr;
	_ =	strace $0xD0000000  }
0x3: {  	_ = 	snop  }
0x4: {  	_ = 	snop  }
0x5: {  	_ = 	snop  }
0x6: {  	_ = 	snop  }
0x7: {  	_ = 	snop  }
__scs_overlays_trampoline_lowered:
0x8: {  	[smem:$0x3FA0] =	sst s0  }
0x9: {  	[smem:$0x3FA1] =	sst s1  }
0xa: {  	[smem:$0x3FA2] =	sst s2  }
0xb: {  	[smem:$0x3FA3] =	sst s3  }
0xc: {  	[smem:$0x3FA4] =	sst s4  }
0xd: {  	[smem:$0x3FA5] =	sst s5  }
0xe: {  	[smem:$0x3FA6] =	sst s6  }
0xf: {  	[smem:$0x3FA7] =	sst s7  }
0x10: {  	[smem:$0x3FA8] =	sst s8  }
0x11: {  	[smem:$0x3FA9] =	sst s9;
	s0 =	simm.s32 @!p0 $0x0  }
0x12: {  	s1 =	sld [smem:$0x3F8F];
	s0 =	simm.s32 @p0 $0x1  }
0x13: {  	[smem:$0x3FAA] =	sst s0;
	s0 =	simm.s32 @!p1 $0x0  }
0x14: {  	s2 =	sld [smem:$0x3F8E];
	s0 =	simm.s32 @p1 $0x1  }
0x15: {  	[smem:$0x3FAB] =	sst s0;
	s0 =	simm.s32 @!p2 $0x0  }
0x16: {  	s3 =	sld [smem:$0x3FDB];
	s0 =	simm.s32 @p2 $0x1  }
0x17: {  	s4 =	simm.s32 $0x1BF5;
	[smem:$0x3FAD] =	sst s0  }
0x18: {  	s0 =	sld [smem:$0x3F90];
	_ =	swait.ge [sflag:s4], $0x0  }
0x19: {  	s7 =	sld [smem:$0x3F91]  }
0x1a: {  	s8 =	sadd.s32 $0xFFFFE003, lr  }
0x1b: {  	s9 =	sadd.s32 $0xFFFFFEF7, lr;
	s5 =	simm.s32 $0xFFFFFFFF;
	p2 =	slt.u32 s8, $0xFFFFF086  }
0x1c: {  	p1 =	slt.u32 s9, $0xF7A;
	s5 =	simm.s32 @!p2 $0x0  }
0x1d: {  	s5 =	simm.s32 @p1 $0x1;
	p0 =	seq.s32 s7, s2  }
0x1e: {  	s7 =	smul.u32 @!p0 $0xF7A, s2;
	p2 =	seq.s32 @!p0 s5, $0x0  }
0x1f: {  	s9 =	smul.u32 $0xF7A, s1;
	s8 =	simm.s32 @!p0 $0x1BF5;
	p2 =	por !p2, p0  }
0x20: {  	[sflag:s8] =	ssyncset.s32 @!p0 $0xFFFFF086;
	s6 =	sadd.s32 @!p0 s3, s7;
	s7 =	simm.s32 @!p0 $0x108  }
0x21: {  	s3 =	sadd.s32 s3, s9;
	s6 =	sadd.s32 @!p0 $0x88, s6;
	s7 =	simm.s32 @p2 $0x1082  }
0x22: {  	[simem:s7], [sflag:s8] =	dma.local @!p0 [hbm:s6], $0xF7A  }
0x23: {  	s9 =	sor.u32 $0xD0000000, s2;
	s6 =	simm.s32 $0x108;
	_ =	swait.ge @!p0 [sflag:s8], $0x0  }
0x24: {  	s3 =	sadd.s32 $0x88, s3;
	s6 =	simm.s32 @!p1 $0x1082;
	[sflag:s4] =	ssyncset.s32 $0xFFFFF086  }
0x25: {  	[simem:s6], [sflag:s4] =	dma.local [hbm:s3], $0xF7A  }
0x26: {  	[smem:$0x3F91] =	sst s1;
	(tag) =	ssettag s2;
	_ =	strace s9  }
0x27: {  	s1 =	sld [smem:$0x3FA1]  }
0x28: {  	s2 =	sld [smem:$0x3FA2]  }
0x29: {  	s4 =	sld [smem:$0x3FA4]  }
0x2a: {  	p0 =	seq.s32 s5, $0x0;
	s5 =	sld [smem:$0x3FA5]  }
0x2b: {  	s6 =	sld [smem:$0x3FA6]  }
0x2c: {  	s7 =	sld [smem:$0x3FA7]  }
0x2d: {  	s3 =	simm.s32 $0x108;
	s8 =	sld [smem:$0x3FA8]  }
0x2e: {  	s3 =	simm.s32 @!p0 $0x1082;
	s9 =	sld [smem:$0x3FA9]  }
0x2f: {  	lr =	sadd.s32 s0, s3;
	s0 =	sld [smem:$0x3FA0]  }
0x30: {  	s3 =	sld [smem:$0x3FA3]  }
0x31: {  	[smem:$0x3FAC] =	sst s10  }
0x32: {  	s10 =	sld [smem:$0x3FAA];
	_ =	sdelay $0x3  }
0x33: {  	p0 =	seq.s32 s10, $0x1;
	s10 =	sld [smem:$0x3FAC];
	_ =	sdelay $0x3  }
0x34: {  	[smem:$0x3FAC] =	sst s10  }
0x35: {  	s10 =	sld [smem:$0x3FAB];
	_ =	sdelay $0x3  }
0x36: {  	p1 =	seq.s32 s10, $0x1;
	s10 =	sld [smem:$0x3FAC];
	_ =	sdelay $0x3  }
0x37: {  	[smem:$0x3FAC] =	sst s10  }
0x38: {  	s10 =	sld [smem:$0x3FAD]  }
0x39: {  	_ = 	snop;
	(pc) =	sbr.ind lr, $3  }
0x3a: {  	_ = 	snop  }
0x3b: {  	_ = 	snop  }
0x3c: {  	p2 =	seq.s32 s10, $0x1;
	s10 =	sld [smem:$0x3FAC]  }
0x3d: {  	_ =	shalt  }
0x3e: {  	_ =	shalt  }
0x3f: {  	_ =	shalt  }
0x40: {  	_ =	shalt  }
0x41: {  	_ =	shalt  }
0x42: {  	_ =	shalt  }
0x43: {  	_ =	shalt  }
0x44: {  	_ =	shalt  }
0x45: {  	_ =	shalt  }
0x46: {  	_ =	shalt  }
0x47: {  	_ =	shalt  }
0x48: {  	_ =	shalt  }
0x49: {  	_ =	shalt  }
0x4a: {  	_ =	shalt  }
0x4b: {  	_ =	shalt  }
0x4c: {  	_ =	shalt  }
0x4d: {  	_ =	shalt  }
0x4e: {  	_ =	shalt  }
0x4f: {  	_ =	shalt  }
0x50: {  	_ =	shalt  }
0x51: {  	_ =	shalt  }
0x52: {  	_ =	shalt  }
0x53: {  	_ =	shalt  }
0x54: {  	_ =	shalt  }
0x55: {  	_ =	shalt  }
0x56: {  	_ =	shalt  }
0x57: {  	_ =	shalt  }
0x58: {  	_ =	shalt  }
0x59: {  	_ =	shalt  }
0x5a: {  	_ =	shalt  }
0x5b: {  	_ =	shalt  }
0x5c: {  	_ =	shalt  }
0x5d: {  	_ =	shalt  }
0x5e: {  	_ =	shalt  }
0x5f: {  	_ =	shalt  }
0x60: {  	_ =	shalt  }
0x61: {  	_ =	shalt  }
0x62: {  	_ =	shalt  }
0x63: {  	_ =	shalt  }
0x64: {  	_ =	shalt  }
0x65: {  	_ =	shalt  }
0x66: {  	_ =	shalt  }
0x67: {  	_ =	shalt  }
0x68: {  	_ =	shalt  }
0x69: {  	_ =	shalt  }
0x6a: {  	_ =	shalt  }
0x6b: {  	_ =	shalt  }
0x6c: {  	_ =	shalt  }
0x6d: {  	_ =	shalt  }
0x6e: {  	_ =	shalt  }
0x6f: {  	_ =	shalt  }
0x70: {  	_ =	shalt  }
0x71: {  	_ =	shalt  }
0x72: {  	_ =	shalt  }
0x73: {  	_ =	shalt  }
0x74: {  	_ =	shalt  }
0x75: {  	_ =	shalt  }
0x76: {  	_ =	shalt  }
0x77: {  	_ =	shalt  }
0x78: {  	_ =	shalt  }
0x79: {  	_ =	shalt  }
0x7a: {  	_ =	shalt  }
0x7b: {  	_ =	shalt  }
0x7c: {  	_ =	shalt  }
0x7d: {  	_ =	shalt  }
0x7e: {  	_ =	shalt  }
0x7f: {  	_ =	shalt  }
0x80: {  	_ =	shalt  }
0x81: {  	_ =	shalt  }
0x82: {  	_ =	shalt  }
0x83: {  	_ =	shalt  }
0x84: {  	_ =	shalt  }
0x85: {  	_ =	shalt  }
0x86: {  	_ =	shalt  }
0x87: {  	_ =	shalt  }
.Lfunc_end0:
.L_simem_size_0:
called_computation_lowered:
.L_overlay_start_0:
0x88: {  	s2 =	sld [smem:$0x3FD9]  }
0x89: {  	s3 =	sld [smem:$0x3FFE];
	_ =	sdelay $0x1  }
0x8a: {  	s1 =	srdreg.scid  }
0x8b: {  	s0 =	sand.u32 $0x1, s1  }
0x8c: {  	s23 =	sshll.u32 s0, $0xA;
	s2 =	sadd.s32 s3, s2  }
0x8d: {  	s2 =	sadd.s32 s2, s23  }
0x8e: {  	[smem:$0x3FB8] =	sst s2  }
0x8f: {  	_ = 	snop  }
0x90: {  	s11 =	sld [smem:$0x3FC9]  }
0x91: {  	s12 =	sld [smem:$0x3FC8]  }
0x92: {  	s13 =	sld [smem:$0x3FC7]  }
0x93: {  	s14 =	sld [smem:$0x3FC6]  }
0x94: {  	s2 =	sld [smem:$0x3FC4]  }
0x95: {  	s3 =	sld [smem:$0x3FC3]  }
0x96: {  	s4 =	sld [smem:$0x3FC2]  }
0x97: {  	s5 =	sld [smem:$0x3FC1]  }
0x98: {  	s6 =	sld [smem:$0x3FC0]  }
0x99: {  	s7 =	sld [smem:$0x3FBF]  }
0x9a: {  	s8 =	sld [smem:$0x3FBE]  }
0x9b: {  	s9 =	sld [smem:$0x3FBD]  }
0x9c: {  	s10 =	sld [smem:$0x3FBC]  }
0x9d: {  	s16 =	sld [smem:$0x3FBB]  }
0x9e: {  	s17 =	sld [smem:$0x3FBA]  }
0x9f: {  	s18 =	sld [smem:$0x3FD0];
	(tm) =	ssettm $0x1  }
0xa0: {  	s15 =	sld [smem:$0x3FFB];
	_ =	sdelay $0x3  }
0xa1: {  	_ =	strace s15  }
0xa2: {  	s15 =	sld [smem:$0x3FFC];
	_ =	sdelay $0x3  }
0xa3: {  	_ =	strace s15  }
0xa4: {  	s15 =	sld [smem:$0x3FFD];
	_ =	sdelay $0x3  }
0xa5: {  	_ =	strace s15  }
0xa6: {  	_ =	strace $0x8FFFFFFF  }
0xa7: {  	s24 =	sld [smem:$0x3FDB];
	_ =	sdelay $0x1  }
0xa8: {  	s19 =	simm.s32 $_scs_section_size  }
0xa9: {  	s20 =	simm.s32 $_size__tile_task_arg_handler_lowered;
	s21 =	simm.s32 $_tile_task_arg_handler_lowered  }
0xaa: {  	s28 =	simm.s32 $0x1BFF;
	s26 =	sshll.u32 s21, $0x1;
	s19 =	sadd.s32 s19, s24  }
0xab: {  	s22 =	simm.s32 $0x60;
	s25 =	sshll.u32 s20, $0x1;
	s20 =	sadd.s32 s26, s19  }
0xac: {  	[timem:s22], [sflag:s28] =	dma.local [hbm:s20], s25  }
0xad: {  	_ =	swait.ge [sflag:s28], s25  }
0xae: {  	s29 =	simm.s32 $_tile_overlayer_lowered;
	s15 =	ssub.s32 $0x0, s25;
	[sflag:s28] =	ssyncset.done $0x0  }
0xaf: {  	s30 =	simm.s32 $_size__tile_overlayer_lowered;
	s20 =	sshll.u32 s29, $0x1;
	[sflag:s28] =	ssyncadd.s32 s15  }
0xb0: {  	s31 =	sshll.u32 s30, $0x1;
	s20 =	sadd.s32 s20, s19;
	s15 =	simm.s32 $0x0  }
0xb1: {  	[timem:s15], [sflag:s28] =	dma.local [hbm:s20], s31  }
0xb2: {  	_ =	swait.ge [sflag:s28], s31  }
0xb3: {  	s22 =	ssub.s32 $0x0, s31;
	[sflag:s28] =	ssyncset.done $0x0  }
0xb4: {  	[sflag:s28] =	ssyncadd.s32 s22;
	_ =	sdelay $0x1  }
0xb5: {  	s23 =	simm.s32 $0x1B8B  }
0xb6: {  	_ =	swait.ge [sflag:s23], $0x1  }
0xb7: {  	[sflag:s23] =	ssyncset.done $0x0  }
0xb8: {  	s25 =	simm.s32 $0x1B8E;
	s24 =	sld [smem:$0x3FFE];
	[sflag:s23] =	ssyncadd.s32 $0xFFFFFFFF  }
0xb9: {  	s26 =	simm.s32 $execute0_lowered;
	[smem:$0x3FD2] =	sst s25  }
0xba: {  	s21 =	sshll.u32 s26, $0x1;
	_ =	strace $0x80000046;
	[dreg:$0x1] =	wrdreg $0xFFFFFFFF  }
0xbb: {  	s19 =	sadd.s32 s19, s21;
	s28 =	simm.s32 $_size_execute0_lowered;
	[dreg:$0x0] =	wrdreg $0x0  }
0xbc: {  	s21 =	sshll.u32 s28, $0x1;
	[dreg:$0x2] =	wrdreg s19  }
0xbd: {  	[dreg:$0x3] =	wrdreg s21  }
0xbe: {  	[dreg:$0x4] =	wrdreg $0xC0  }
0xbf: {  	_ =	task [dreg:s15], $0x5FFFF  }
0xc0: {  	[dreg:$0x1] =	wrdreg $0xFFFFFFFF  }
0xc1: {  	[dreg:$0x0] =	wrdreg $0x30  }
0xc2: {  	[dreg:$0x2] =	wrdreg $0x0  }
0xc3: {  	[dreg:$0x3] =	wrdreg s16  }
0xc4: {  	[dreg:$0x4] =	wrdreg s17  }
0xc5: {  	[dreg:$0x5] =	wrdreg s18  }
0xc6: {  	[dreg:$0x6] =	wrdreg $0x9  }
0xc7: {  	_ =	task [dreg:s15], $0x7FFFF  }
0xc8: {  	[dreg:$0x1] =	wrdreg $0xFFFFFFFF  }
0xc9: {  	[dreg:$0x0] =	wrdreg $0x60  }
0xca: {  	[dreg:$0x2] =	wrdreg s11  }
0xcb: {  	[dreg:$0x3] =	wrdreg s12  }
0xcc: {  	[dreg:$0x4] =	wrdreg s13  }
0xcd: {  	[dreg:$0x5] =	wrdreg s14  }
0xce: {  	[dreg:$0x6] =	wrdreg s24  }
0xcf: {  	[dreg:$0x7] =	wrdreg s2  }
0xd0: {  	[dreg:$0x8] =	wrdreg s3  }
0xd1: {  	[dreg:$0x9] =	wrdreg s4  }
0xd2: {  	[dreg:$0xa] =	wrdreg s5  }
0xd3: {  	[dreg:$0xb] =	wrdreg s6  }
0xd4: {  	[dreg:$0xc] =	wrdreg s7  }
0xd5: {  	[dreg:$0xd] =	wrdreg s8  }
0xd6: {  	[dreg:$0xe] =	wrdreg s9  }
0xd7: {  	[dreg:$0xf] =	wrdreg s10  }
0xd8: {  	_ =	task.clear_ibuf [dreg:s15], $0x10FFFF;
	_ =	strace $0x90000046  }
0xd9: {  	s29 =	simm.s32 $0x9;
	_ =	strace $0x80000048  }
0xda: {  	_ =	swait.ge [sflag:s29], $0x1  }
0xdb: {  	[sflag:s29] =	ssyncadd.s32 $0xFFFFFFFF  }
0xdc: {  	_ =	strace $0x90000048  }
0xdd: {  	_ =	sfence  }
0xde: {  	s30 =	sld [smem:$0x0];
	_ =	sdelay $0x2  }
0xdf: {  	s31 =	sshll.u32 s1, $0xD;
	s1 =	sshrl.u32 s1, $0x2  }
0xe0: {  	s3 =	sand.u32 $0x4000, s31;
	s1 =	sadd.s32 s1, s30  }
0xe1: {  	s0 =	sor.u32 s3, s0;
	s1 =	sshll.u32 s1, $0x11  }
0xe2: {  	s0 =	sor.u32 s1, s0  }
0xe3: {  	s0 =	sadd.s32 $0x8F2B, s0  }
0xe4: {  	[sflag:s0] =	ssyncadd.remote.s32 $0x1  }
0xe5: {  	_ =	sfence.sel $0xFFFF  }
0xe6: {  	[dreg:$0x0] =	wrdreg $0xFFFFFFFF;
	(pc) =	sbr.abs _section_cstart, $3  }
0xe7: {  	[dreg:$0x1] =	wrdreg $0xFFFFFFFF  }
0xe8: {  	_ =	task.clear_ibuf [dreg:s15], $0x2FFFF;
	_ =	strace $0x9FFFFFFF  }
0xe9: {  	(tm) =	ssettm $0x7FFFFFFF  }
tec
_tile_task_arg_handler_lowered:
.L_overlay_start_1:
0x0: {  	(tag) =	ssettag $0x1  }
0x1: {  	s0 =	rddreg [dreg:$0x0]  }
0x2: {  	s1 =	rddreg [dreg:$0x1]  }
0x3: {  	s2 =	rddreg [dreg:$0x2]  }
0x4: {  	s3 =	rddreg [dreg:$0x3]  }
0x5: {  	s4 =	rddreg [dreg:$0x4]  }
0x6: {  	s5 =	rddreg [dreg:$0x5]  }
0x7: {  	s6 =	rddreg [dreg:$0x6]  }
0x8: {  	s7 =	rddreg [dreg:$0x7]  }
0x9: {  	s8 =	rddreg [dreg:$0x8]  }
0xa: {  	s9 =	rddreg [dreg:$0x9]  }
0xb: {  	s10 =	rddreg [dreg:$0xa]  }
0xc: {  	s11 =	rddreg [dreg:$0xb]  }
0xd: {  	s12 =	rddreg [dreg:$0xc]  }
0xe: {  	s13 =	rddreg [dreg:$0xd]  }
0xf: {  	[smem:s0] =	sst s1  }
0x10: {  	[smem:s0+$0x1] =	sst s2  }
0x11: {  	[smem:s0+$0x2] =	sst s3  }
0x12: {  	[smem:s0+$0x3] =	sst s4  }
0x13: {  	[smem:s0+$0x4] =	sst s5  }
0x14: {  	[smem:s0+$0x5] =	sst s6  }
0x15: {  	[smem:s0+$0x6] =	sst s7  }
0x16: {  	[smem:s0+$0x7] =	sst s8  }
0x17: {  	[smem:s0+$0x8] =	sst s9  }
0x18: {  	[smem:s0+$0x9] =	sst s10  }
0x19: {  	[smem:s0+$0xA] =	sst s11  }
0x1a: {  	[smem:s0+$0xB] =	sst s12  }
0x1b: {  	[smem:s0+$0xC] =	sst s13;
	_ =	shalt  }
.Lfunc_end2:
execute0_lowered:
.L_overlay_start_2:
0x1c: {  	(tag) =	ssettag $0x2  }
0x1d: {  	s0 =	rddreg [dreg:$0x0]  }
0x1e: {  	s1 =	rddreg [dreg:$0x4]  }
0x1f: {  	s13 =	simm.s32 $0x0;
	s3 =	srdreg.scid;
	s5 =	stileid.u32  }
0x20: {  	s28 =	simm.s32 $0x2A00;
	s29 =	simm.s32 $0x3200;
	s30 =	simm.s32 $0x3400  }
0x21: {  	s31 =	simm.s32 $0x3800;
	s15 =	simm.s32 $0x3A00;
	[smem:$0x7FF] =	sst s13  }
0x22: {  	s12 =	simm.s32 $0x3B00;
	s10 =	simm.s32 $0x1;
	s2 =	sld [smem:$0x0]  }
0x23: {  	s7 =	simm.s32 $0x0;
	s3 =	sand.u32 $0x1, s3;
	s21 =	sld [smem:$0x1]  }
0x24: {  	s5 =	sshll.u32 s5, $0xA;
	s1 =	sadd.s32 $0x400, s1;
	s22 =	sld [smem:$0x2]  }
0x25: {  	s4 =	sld [smem:$0x3];
	s23 =	ssub.s32 $0x2, s3;
	s3 =	sshll.u32 s3, $0x9  }
0x26: {  	s6 =	sshrl.u32 s23, $0x1;
	s3 =	sor.u32 s3, s5;
	[dreg:$0xf] =	wrdreg s2  }
0x27: {  	s24 =	ssub.s32 s23, s6;
	s25 =	sor.u32 $0x100, s3;
	[dreg:$0x10] =	wrdreg s21  }
0x28: {  	s5 =	sadd.s32 s0, s3;
	s6 =	simm.s32 $0x4400;
	[dreg:$0xe] =	wrdreg s4  }
0x29: {  	s0 =	sadd.s32 s0, s25;
	s20 =	sadd.s32 s22, s3;
	s21 =	sadd.s32 s22, s25  }
0x2a: {  	s26 =	sadd.s32 $0x4000, s5;
	_ =	strace $0x80000047;
	[dreg:$0x11] =	wrdreg s1  }
0x2b: {  	s25 =	simm.s32 $0x2000;
	s2 =	simm.s32 $0x4000;
	[dreg:$0x12] =	wrdreg s5  }
0x2c: {  	s3 =	simm.s32 $0x4100;
	s4 =	simm.s32 $0x4200;
	[dreg:$0x15] =	wrdreg s26  }
0x2d: {  	s1 =	smax.u32 s24, $0x1;
	[dreg:$0x13] =	wrdreg s0;
	s0 =	sadd.s32 $0x4000, s0  }
0x2e: {  	s26 =	simm.s32 $0x2800;
	s5 =	simm.s32 $0x4300;
	[dreg:$0x14] =	wrdreg s1  }
0x2f: {  	[dreg:$0x16] =	wrdreg s0;
	s0 =	simm.s32 $0x3D00;
	s1 =	simm.s32 $0x3F00  }
.LBB3_1:
0x30: {  	s8 =	rddreg [dreg:$0x1]  }
0x31: {  	[tilespmem:s25], [sflag:$0x1] =	stream.linear.gather [hbm4b:s8+s13], $0x500, $0x38;
	[tilespmem:$0xC800] =	vst v63  }
0x32: {  	s9 =	rddreg [dreg:$0x2]  }
0x33: {  	[tilespmem:s26], [sflag:$0x1] =	stream.linear.gather [hbm4b:s9+s13], $0x180, $0x38;
	[tilespmem:$0xC800] =	vst v63  }
0x34: {  	s11 =	rddreg [dreg:$0x3]  }
0x35: {  	[tilespmem:s28], [sflag:$0x1] =	stream.linear.gather [hbm4b:s11+s13], $0x480, $0x38;
	[tilespmem:$0xC800] =	vst v63  }
0x36: {  	s14 =	rddreg [dreg:$0x11]  }
0x37: {  	[tilespmem:s29], [sflag:$0x1] =	stream.linear.gather [hbm4b:s14+s13], $0x180, $0x38;
	[tilespmem:$0xC800] =	vst v63  }
0x38: {  	s16 =	rddreg [dreg:$0x5]  }
0x39: {  	[tilespmem:s30], [sflag:$0x1] =	stream.linear.gather [hbm4b:s16+s13], $0x280, $0x38;
	[tilespmem:$0xC800] =	vst v63  }
0x3a: {  	s17 =	rddreg [dreg:$0x6]  }
0x3b: {  	[tilespmem:s31], [sflag:$0x1] =	stream.linear.gather [hbm4b:s17+s13], $0x180, $0x38;
	[tilespmem:$0xC800] =	vst v63  }
0x3c: {  	s18 =	rddreg [dreg:$0x7]  }
0x3d: {  	[tilespmem:s15], [sflag:$0x1] =	stream.linear.gather [hbm4b:s18+s13], $0x100, $0x38;
	[tilespmem:$0xC800] =	vst v63  }
0x3e: {  	s19 =	rddreg [dreg:$0x8]  }
0x3f: {  	[tilespmem:s12], [sflag:$0x1] =	stream.linear.gather [hbm4b:s19+s13], $0x180, $0x38;
	[tilespmem:$0xC800] =	vst v63  }
0x40: {  	s22 =	rddreg [dreg:$0x9]  }
0x41: {  	[tilespmem:s0], [sflag:$0x1] =	stream.linear.gather [hbm4b:s22+s13], $0x180, $0x38;
	[tilespmem:$0xC800] =	vst v63  }
0x42: {  	s23 =	rddreg [dreg:$0xa]  }
0x43: {  	[tilespmem:s1], [sflag:$0x1] =	stream.linear.gather [hbm4b:s23+s13], $0x100, $0x38;
	[tilespmem:$0xC800] =	vst v63  }
0x44: {  	s24 =	rddreg [dreg:$0xb]  }
0x45: {  	[tilespmem:s2], [sflag:$0x1] =	stream.linear.gather [hbm4b:s24+s13], $0x100, $0x38;
	[tilespmem:$0xC800] =	vst v63  }
0x46: {  	s9 =	rddreg [dreg:$0xc]  }
0x47: {  	[tilespmem:s3], [sflag:$0x1] =	stream.linear.gather [hbm4b:s9+s13], $0x100, $0x38;
	[tilespmem:$0xC800] =	vst v63  }
0x48: {  	s11 =	rddreg [dreg:$0xd]  }
0x49: {  	[tilespmem:s4], [sflag:$0x1] =	stream.linear.gather [hbm4b:s11+s13], $0x100, $0x38;
	[tilespmem:$0xC800] =	vst v63  }
0x4a: {  	s14 =	rddreg [dreg:$0xf]  }
0x4b: {  	[tilespmem:s5], [sflag:$0x1] =	stream.linear.gather [hbm4b:s14+s13], $0x100, $0x38;
	[tilespmem:$0xC800] =	vst v63  }
0x4c: {  	s16 =	rddreg [dreg:$0x10]  }
0x4d: {  	[tilespmem:s6], [sflag:$0x1] =	stream.linear.gather [hbm4b:s16+s13], $0x280, $0x38;
	[tilespmem:$0xC800] =	vst v63  }
0x4e: {  	s17 =	rddreg [dreg:$0x12]  }
0x4f: {  	[tilespmem:s13], [sflag:$0x1] =	stream.linear.gather [hbm4b:s17+s13], $0x800, $0x38;
	[tilespmem:$0xC800] =	vst v63  }
0x50: {  	s18 =	rddreg [dreg:$0x15];
	s9 =	simm.s32 $0x1000  }
0x51: {  	[tilespmem:s9], [sflag:$0x1] =	stream.linear.gather [hbm4b:s18+s13], $0x800, $0x38;
	[tilespmem:$0xC800] =	vst v63  }
0x52: {  	s19 =	rddreg [dreg:$0x13];
	s22 =	simm.s32 $0x800  }
0x53: {  	[tilespmem:s22], [sflag:$0x2] =	stream.linear.gather [hbm4b:s19+s13], $0x800, $0x38;
	[tilespmem:$0xC800] =	vst v63  }
0x54: {  	s23 =	rddreg [dreg:$0x16];
	s24 =	simm.s32 $0x1800  }
0x55: {  	[tilespmem:s24], [sflag:$0x2] =	stream.linear.gather [hbm4b:s23+s13], $0x800, $0x38;
	[tilespmem:$0xC800] =	vst v63  }
0x56: {  	_ =	swait.ge [sflag:s10], $0x500  }
0x57: {  	[sflag:s10] =	ssyncset.done $0x0  }
0x58: {  	[sflag:s10] =	ssyncadd.s32 $0xFFFFFB00  }
0x59: {  	_ =	swait.ge [sflag:s10], $0x180  }
0x5a: {  	[sflag:s10] =	ssyncset.done $0x0  }
0x5b: {  	[sflag:s10] =	ssyncadd.s32 $0xFFFFFE80  }
0x5c: {  	_ =	swait.ge [sflag:s10], $0x480  }
0x5d: {  	[sflag:s10] =	ssyncset.done $0x0  }
0x5e: {  	[sflag:s10] =	ssyncadd.s32 $0xFFFFFB80  }
0x5f: {  	_ =	swait.ge [sflag:s10], $0x180  }
0x60: {  	[sflag:s10] =	ssyncset.done $0x0  }
0x61: {  	[sflag:s10] =	ssyncadd.s32 $0xFFFFFE80  }
0x62: {  	_ =	swait.ge [sflag:s10], $0x280  }
0x63: {  	[sflag:s10] =	ssyncset.done $0x0  }
0x64: {  	[sflag:s10] =	ssyncadd.s32 $0xFFFFFD80  }
0x65: {  	_ =	swait.ge [sflag:s10], $0x180  }
0x66: {  	[sflag:s10] =	ssyncset.done $0x0  }
0x67: {  	[sflag:s10] =	ssyncadd.s32 $0xFFFFFE80  }
0x68: {  	_ =	swait.ge [sflag:s10], $0x100  }
0x69: {  	[sflag:s10] =	ssyncset.done $0x0  }
0x6a: {  	[sflag:s10] =	ssyncadd.s32 $0xFFFFFF00  }
0x6b: {  	_ =	swait.ge [sflag:s10], $0x180  }
0x6c: {  	[sflag:s10] =	ssyncset.done $0x0  }
0x6d: {  	[sflag:s10] =	ssyncadd.s32 $0xFFFFFE80  }
0x6e: {  	_ =	swait.ge [sflag:s10], $0x180  }
0x6f: {  	[sflag:s10] =	ssyncset.done $0x0  }
0x70: {  	[sflag:s10] =	ssyncadd.s32 $0xFFFFFE80  }
0x71: {  	_ =	swait.ge [sflag:s10], $0x100  }
0x72: {  	[sflag:s10] =	ssyncset.done $0x0  }
0x73: {  	[sflag:s10] =	ssyncadd.s32 $0xFFFFFF00  }
0x74: {  	_ =	swait.ge [sflag:s10], $0x100  }
0x75: {  	[sflag:s10] =	ssyncset.done $0x0  }
0x76: {  	[sflag:s10] =	ssyncadd.s32 $0xFFFFFF00  }
0x77: {  	_ =	swait.ge [sflag:s10], $0x100  }
0x78: {  	[sflag:s10] =	ssyncset.done $0x0  }
0x79: {  	[sflag:s10] =	ssyncadd.s32 $0xFFFFFF00  }
0x7a: {  	_ =	swait.ge [sflag:s10], $0x100  }
0x7b: {  	[sflag:s10] =	ssyncset.done $0x0  }
0x7c: {  	[sflag:s10] =	ssyncadd.s32 $0xFFFFFF00  }
0x7d: {  	_ =	swait.ge [sflag:s10], $0x100  }
0x7e: {  	[sflag:s10] =	ssyncset.done $0x0  }
0x7f: {  	[sflag:s10] =	ssyncadd.s32 $0xFFFFFF00  }
0x80: {  	_ =	swait.ge [sflag:s10], $0x280  }
0x81: {  	[sflag:s10] =	ssyncset.done $0x0  }
0x82: {  	[sflag:s10] =	ssyncadd.s32 $0xFFFFFD80  }
0x83: {  	_ =	swait.ge [sflag:s10], $0x1000  }
0x84: {  	[sflag:s10] =	ssyncset.done $0x0  }
0x85: {  	s8 =	simm.s32 $0x0;
	s14 =	simm.s32 $0x0;
	[sflag:s10] =	ssyncadd.s32 $0xFFFFF000  }
.LBB3_2:
0x86: {  	s16 =	sand.u32 $0x70, s14;
	s17 =	sand.u32 $0x400, s8  }
0x87: {  	s16 =	sor.u32 s16, s17  }
0x88: {  	v0 =	vld [tilespmem:s16+$0x0];
	_ =	sdelay $0x2  }
0x89: {  	s24 =	sand.u32 $0xFFFFFC00, s8  }
0x8a: {  	s17 =	sadd.s32 s24, s14  }
0x8b: {  	s22 =	sor.u32 $0x80, s17;
	[tilespmem:s16+$0x4800] =	vst v0  }
0x8c: {  	v0 =	vld [tilespmem:s22+$0x0];
	_ =	sdelay $0x2  }
0x8d: {  	v6 =	vld [tilespmem:s16+$0x100]  }
0x8e: {  	v8 =	vld [tilespmem:s16+$0x200]  }
0x8f: {  	v11 =	vld [tilespmem:s16+$0x300];
	v0 =	vtrunc.f32 v0  }
0x90: {  	v13 =	vld [tilespmem:s16+$0x1000];
	v10 =	vcvt.f32.s32 v0  }
0x91: {  	v5 =	vld [tilespmem:s16+$0x1100]  }
0x92: {  	v3 =	vld [tilespmem:s16+$0x1200]  }
0x93: {  	s23 =	sor.u32 $0x180, s17;
	v1 =	vld [tilespmem:s16+$0x1300]  }
0x94: {  	s24 =	sor.u32 $0x280, s17;
	v7 =	vld [tilespmem:s23+$0x0]  }
0x95: {  	s18 =	sor.u32 s14, s8;
	v9 =	vld [tilespmem:s24+$0x0]  }
0x96: {  	s19 =	sor.u32 $0x380, s18;
	v15 =	vld.idx.msk [tilespmem:v10+s25+$0x0], $0xffff  }
0x97: {  	s11 =	sor.u32 $0x1080, s17;
	v12 =	vld [tilespmem:s19+$0x0];
	v16 =	vadd.s32 $0x80, v10  }
0x98: {  	s9 =	sor.u32 $0x1180, s17;
	v14 =	vld [tilespmem:s11+$0x0]  }
0x99: {  	s17 =	sor.u32 $0x1280, s17;
	v4 =	vld [tilespmem:s9+$0x0]  }
0x9a: {  	s18 =	sor.u32 $0x1380, s18;
	v2 =	vld [tilespmem:s17+$0x0]  }
0x9b: {  	v32 =	vld [tilespmem:s18+$0x0];
	[tilespmem:s22+$0x4800] =	vst v15  }
0x9c: {  	v15 =	vld.idx.msk [tilespmem:v16+s25+$0x0], $0xffff  }
0x9d: {  	v33 =	vadd.s32 $0x100, v10;
	_ =	sdelay $0x3  }
0x9e: {  	[tilespmem:s16+$0x4900] =	vst v15  }
0x9f: {  	v15 =	vld.idx.msk [tilespmem:v33+s25+$0x0], $0xffff  }
0xa0: {  	v34 =	vadd.s32 $0x180, v10;
	_ =	sdelay $0x3  }
0xa1: {  	[tilespmem:s23+$0x4800] =	vst v15  }
0xa2: {  	v15 =	vld.idx.msk [tilespmem:v34+s25+$0x0], $0xffff  }
0xa3: {  	v35 =	vadd.s32 $0x200, v10;
	_ =	sdelay $0x3  }
0xa4: {  	[tilespmem:s16+$0x4A00] =	vst v15  }
0xa5: {  	v15 =	vld.idx.msk [tilespmem:v35+s25+$0x0], $0xffff  }
0xa6: {  	v36 =	vadd.s32 $0x280, v10;
	_ =	sdelay $0x3  }
0xa7: {  	[tilespmem:s24+$0x4800] =	vst v15  }
0xa8: {  	v15 =	vld.idx.msk [tilespmem:v36+s25+$0x0], $0xffff  }
0xa9: {  	v37 =	vadd.s32 $0x300, v10;
	_ =	sdelay $0x3  }
0xaa: {  	[tilespmem:s16+$0x4B00] =	vst v15  }
0xab: {  	v15 =	vld.idx.msk [tilespmem:v37+s25+$0x0], $0xffff  }
0xac: {  	v38 =	vadd.s32 $0x380, v10;
	_ =	sdelay $0x3  }
0xad: {  	[tilespmem:s19+$0x4800] =	vst v15  }
0xae: {  	v15 =	vld.idx.msk [tilespmem:v38+s25+$0x0], $0xffff  }
0xaf: {  	v39 =	vadd.s32 $0x400, v10;
	_ =	sdelay $0x3  }
0xb0: {  	[tilespmem:s16+$0x5800] =	vst v15  }
0xb1: {  	v15 =	vld.idx.msk [tilespmem:v39+s25+$0x0], $0xffff  }
0xb2: {  	v10 =	vadd.s32 $0x480, v10;
	_ =	sdelay $0x3  }
0xb3: {  	v6 =	vtrunc.f32 v6;
	[tilespmem:s11+$0x4800] =	vst v15  }
0xb4: {  	v6 =	vcvt.f32.s32 v6;
	v10 =	vld.idx.msk [tilespmem:v10+s25+$0x0], $0xffff;
	_ =	sdelay $0x4  }
0xb5: {  	[tilespmem:s16+$0x5900] =	vst v10  }
0xb6: {  	v10 =	vld.idx.msk [tilespmem:v6+s26+$0x0], $0xffff  }
0xb7: {  	v40 =	vadd.s32 $0x80, v6;
	_ =	sdelay $0x3  }
0xb8: {  	[tilespmem:s9+$0x4800] =	vst v10  }
0xb9: {  	v10 =	vld.idx.msk [tilespmem:v40+s26+$0x0], $0xffff  }
0xba: {  	v6 =	vadd.s32 $0x100, v6;
	_ =	sdelay $0x3  }
0xbb: {  	v7 =	vtrunc.f32 v7;
	[tilespmem:s16+$0x5A00] =	vst v10  }
0xbc: {  	v7 =	vcvt.f32.s32 v7;
	v6 =	vld.idx.msk [tilespmem:v6+s26+$0x0], $0xffff;
	_ =	sdelay $0x4  }
0xbd: {  	[tilespmem:s17+$0x4800] =	vst v6  }
0xbe: {  	v6 =	vld.idx.msk [tilespmem:v7+s28+$0x0], $0xffff  }
0xbf: {  	v41 =	vadd.s32 $0x80, v7;
	_ =	sdelay $0x3  }
0xc0: {  	[tilespmem:s16+$0x5B00] =	vst v6  }
0xc1: {  	v6 =	vld.idx.msk [tilespmem:v41+s28+$0x0], $0xffff  }
0xc2: {  	v42 =	vadd.s32 $0x100, v7;
	_ =	sdelay $0x3  }
0xc3: {  	[tilespmem:s18+$0x4800] =	vst v6  }
0xc4: {  	v6 =	vld.idx.msk [tilespmem:v42+s28+$0x0], $0xffff  }
0xc5: {  	v43 =	vadd.s32 $0x180, v7;
	_ =	sdelay $0x3  }
0xc6: {  	[tilespmem:s16+$0x6800] =	vst v6  }
0xc7: {  	v6 =	vld.idx.msk [tilespmem:v43+s28+$0x0], $0xffff  }
0xc8: {  	v44 =	vadd.s32 $0x200, v7;
	_ =	sdelay $0x3  }
0xc9: {  	[tilespmem:s16+$0x6880] =	vst v6  }
0xca: {  	v6 =	vld.idx.msk [tilespmem:v44+s28+$0x0], $0xffff  }
0xcb: {  	v45 =	vadd.s32 $0x280, v7;
	_ =	sdelay $0x3  }
0xcc: {  	[tilespmem:s16+$0x6900] =	vst v6  }
0xcd: {  	v6 =	vld.idx.msk [tilespmem:v45+s28+$0x0], $0xffff  }
0xce: {  	v46 =	vadd.s32 $0x300, v7;
	_ =	sdelay $0x3  }
0xcf: {  	[tilespmem:s16+$0x6980] =	vst v6  }
0xd0: {  	v6 =	vld.idx.msk [tilespmem:v46+s28+$0x0], $0xffff  }
0xd1: {  	v47 =	vadd.s32 $0x380, v7;
	_ =	sdelay $0x3  }
0xd2: {  	[tilespmem:s16+$0x6A00] =	vst v6  }
0xd3: {  	v6 =	vld.idx.msk [tilespmem:v47+s28+$0x0], $0xffff  }
0xd4: {  	v7 =	vadd.s32 $0x400, v7;
	_ =	sdelay $0x3  }
0xd5: {  	v8 =	vtrunc.f32 v8;
	[tilespmem:s16+$0x6A80] =	vst v6  }
0xd6: {  	v48 =	vcvt.f32.s32 v8;
	v7 =	vld.idx.msk [tilespmem:v7+s28+$0x0], $0xffff;
	_ =	sdelay $0x4  }
0xd7: {  	[tilespmem:s16+$0x6B00] =	vst v7  }
0xd8: {  	v7 =	vld.idx.msk [tilespmem:v48+s29+$0x0], $0xffff  }
0xd9: {  	v8 =	vadd.s32 $0x80, v48;
	_ =	sdelay $0x3  }
0xda: {  	[tilespmem:s16+$0x6B80] =	vst v7  }
0xdb: {  	v7 =	vld.idx.msk [tilespmem:v8+s29+$0x0], $0xffff  }
0xdc: {  	v6 =	vadd.s32 $0x100, v48;
	_ =	sdelay $0x3  }
0xdd: {  	v49 =	vtrunc.f32 v9;
	[tilespmem:s16+$0x7800] =	vst v7  }
0xde: {  	v50 =	vcvt.f32.s32 v49;
	v6 =	vld.idx.msk [tilespmem:v6+s29+$0x0], $0xffff;
	_ =	sdelay $0x4  }
0xdf: {  	[tilespmem:s16+$0x7880] =	vst v6  }
0xe0: {  	v6 =	vld.idx.msk [tilespmem:v50+s30+$0x0], $0xffff  }
0xe1: {  	v8 =	vadd.s32 $0x80, v50;
	_ =	sdelay $0x3  }
0xe2: {  	[tilespmem:s16+$0x7900] =	vst v6  }
0xe3: {  	v6 =	vld.idx.msk [tilespmem:v8+s30+$0x0], $0xffff  }
0xe4: {  	v51 =	vadd.s32 $0x100, v50;
	_ =	sdelay $0x3  }
0xe5: {  	[tilespmem:s16+$0x7980] =	vst v6  }
0xe6: {  	v6 =	vld.idx.msk [tilespmem:v51+s30+$0x0], $0xffff  }
0xe7: {  	v52 =	vadd.s32 $0x180, v50;
	_ =	sdelay $0x3  }
0xe8: {  	[tilespmem:s16+$0x7A00] =	vst v6  }
0xe9: {  	v6 =	vld.idx.msk [tilespmem:v52+s30+$0x0], $0xffff  }
0xea: {  	v7 =	vadd.s32 $0x200, v50;
	_ =	sdelay $0x3  }
0xeb: {  	v53 =	vtrunc.f32 v11;
	[tilespmem:s16+$0x7A80] =	vst v6  }
0xec: {  	v54 =	vcvt.f32.s32 v53;
	v7 =	vld.idx.msk [tilespmem:v7+s30+$0x0], $0xffff;
	_ =	sdelay $0x4  }
0xed: {  	[tilespmem:s16+$0x7B00] =	vst v7  }
0xee: {  	v7 =	vld.idx.msk [tilespmem:v54+s31+$0x0], $0xffff  }
0xef: {  	v8 =	vadd.s32 $0x80, v54;
	_ =	sdelay $0x3  }
0xf0: {  	[tilespmem:s16+$0x7B80] =	vst v7  }
0xf1: {  	v7 =	vld.idx.msk [tilespmem:v8+s31+$0x0], $0xffff  }
0xf2: {  	v6 =	vadd.s32 $0x100, v54;
	_ =	sdelay $0x3  }
0xf3: {  	v55 =	vtrunc.f32 v12;
	[tilespmem:s16+$0x8800] =	vst v7  }
0xf4: {  	v56 =	vcvt.f32.s32 v55;
	v6 =	vld.idx.msk [tilespmem:v6+s31+$0x0], $0xffff;
	_ =	sdelay $0x4  }
0xf5: {  	[tilespmem:s16+$0x8880] =	vst v6  }
0xf6: {  	v6 =	vld.idx.msk [tilespmem:v56+s15+$0x0], $0xffff  }
0xf7: {  	v7 =	vadd.s32 $0x80, v56;
	_ =	sdelay $0x3  }
0xf8: {  	v57 =	vtrunc.f32 v13;
	[tilespmem:s16+$0x8900] =	vst v6  }
0xf9: {  	v58 =	vcvt.f32.s32 v57;
	v7 =	vld.idx.msk [tilespmem:v7+s15+$0x0], $0xffff;
	_ =	sdelay $0x4  }
0xfa: {  	[tilespmem:s16+$0x8980] =	vst v7  }
0xfb: {  	v7 =	vld.idx.msk [tilespmem:v58+s12+$0x0], $0xffff  }
0xfc: {  	v8 =	vadd.s32 $0x80, v58;
	_ =	sdelay $0x3  }
0xfd: {  	[tilespmem:s16+$0x8A00] =	vst v7  }
0xfe: {  	v7 =	vld.idx.msk [tilespmem:v8+s12+$0x0], $0xffff  }
0xff: {  	v6 =	vadd.s32 $0x100, v58;
	_ =	sdelay $0x3  }
0x100: {  	v59 =	vtrunc.f32 v14;
	[tilespmem:s16+$0x8A80] =	vst v7  }
0x101: {  	v60 =	vcvt.f32.s32 v59;
	v6 =	vld.idx.msk [tilespmem:v6+s12+$0x0], $0xffff;
	_ =	sdelay $0x4  }
0x102: {  	[tilespmem:s16+$0x8B00] =	vst v6  }
0x103: {  	v6 =	vld.idx.msk [tilespmem:v60+s0+$0x0], $0xffff  }
0x104: {  	v8 =	vadd.s32 $0x80, v60;
	_ =	sdelay $0x3  }
0x105: {  	[tilespmem:s16+$0x8B80] =	vst v6  }
0x106: {  	v6 =	vld.idx.msk [tilespmem:v8+s0+$0x0], $0xffff  }
0x107: {  	v7 =	vadd.s32 $0x100, v60;
	_ =	sdelay $0x3  }
0x108: {  	v5 =	vtrunc.f32 v5;
	[tilespmem:s16+$0x9800] =	vst v6  }
0x109: {  	v5 =	vcvt.f32.s32 v5;
	v6 =	vld.idx.msk [tilespmem:v7+s0+$0x0], $0xffff;
	_ =	sdelay $0x4  }
0x10a: {  	[tilespmem:s16+$0x9880] =	vst v6  }
0x10b: {  	v6 =	vld.idx.msk [tilespmem:v5+s1+$0x0], $0xffff  }
0x10c: {  	v5 =	vadd.s32 $0x80, v5;
	_ =	sdelay $0x3  }
0x10d: {  	v4 =	vtrunc.f32 v4;
	[tilespmem:s16+$0x9900] =	vst v6  }
0x10e: {  	v4 =	vcvt.f32.s32 v4;
	v5 =	vld.idx.msk [tilespmem:v5+s1+$0x0], $0xffff;
	_ =	sdelay $0x4  }
0x10f: {  	[tilespmem:s16+$0x9980] =	vst v5  }
0x110: {  	v5 =	vld.idx.msk [tilespmem:v4+s2+$0x0], $0xffff  }
0x111: {  	v4 =	vadd.s32 $0x80, v4;
	_ =	sdelay $0x3  }
0x112: {  	v3 =	vtrunc.f32 v3;
	[tilespmem:s16+$0x9A00] =	vst v5  }
0x113: {  	v3 =	vcvt.f32.s32 v3;
	v4 =	vld.idx.msk [tilespmem:v4+s2+$0x0], $0xffff;
	_ =	sdelay $0x4  }
0x114: {  	[tilespmem:s16+$0x9A80] =	vst v4  }
0x115: {  	v4 =	vld.idx.msk [tilespmem:v3+s3+$0x0], $0xffff  }
0x116: {  	v3 =	vadd.s32 $0x80, v3;
	_ =	sdelay $0x3  }
0x117: {  	v2 =	vtrunc.f32 v2;
	[tilespmem:s16+$0x9B00] =	vst v4  }
0x118: {  	v2 =	vcvt.f32.s32 v2;
	v3 =	vld.idx.msk [tilespmem:v3+s3+$0x0], $0xffff;
	_ =	sdelay $0x4  }
0x119: {  	[tilespmem:s16+$0x9B80] =	vst v3  }
0x11a: {  	v3 =	vld.idx.msk [tilespmem:v2+s4+$0x0], $0xffff  }
0x11b: {  	v2 =	vadd.s32 $0x80, v2;
	_ =	sdelay $0x3  }
0x11c: {  	v1 =	vtrunc.f32 v1;
	[tilespmem:s16+$0xA800] =	vst v3  }
0x11d: {  	v1 =	vcvt.f32.s32 v1;
	v2 =	vld.idx.msk [tilespmem:v2+s4+$0x0], $0xffff;
	_ =	sdelay $0x4  }
0x11e: {  	[tilespmem:s16+$0xA880] =	vst v2  }
0x11f: {  	v2 =	vld.idx.msk [tilespmem:v1+s5+$0x0], $0xffff  }
0x120: {  	v1 =	vadd.s32 $0x80, v1;
	_ =	sdelay $0x3  }
0x121: {  	v0 =	vtrunc.f32 v32;
	[tilespmem:s16+$0xA900] =	vst v2  }
0x122: {  	v0 =	vcvt.f32.s32 v0;
	v1 =	vld.idx.msk [tilespmem:v1+s5+$0x0], $0xffff;
	_ =	sdelay $0x4  }
0x123: {  	[tilespmem:s16+$0xA980] =	vst v1  }
0x124: {  	v1 =	vld.idx.msk [tilespmem:v0+s6+$0x0], $0xffff  }
0x125: {  	v61 =	vadd.s32 $0x80, v0;
	_ =	sdelay $0x3  }
0x126: {  	[tilespmem:s16+$0xAA00] =	vst v1  }
0x127: {  	v1 =	vld.idx.msk [tilespmem:v61+s6+$0x0], $0xffff  }
0x128: {  	v62 =	vadd.s32 $0x100, v0;
	_ =	sdelay $0x3  }
0x129: {  	[tilespmem:s16+$0xAA80] =	vst v1  }
0x12a: {  	v1 =	vld.idx.msk [tilespmem:v62+s6+$0x0], $0xffff  }
0x12b: {  	v63 =	vadd.s32 $0x180, v0;
	_ =	sdelay $0x3  }
0x12c: {  	[tilespmem:s16+$0xAB00] =	vst v1  }
0x12d: {  	v1 =	vld.idx.msk [tilespmem:v63+s6+$0x0], $0xffff  }
0x12e: {  	v0 =	vadd.s32 $0x200, v0;
	_ =	sdelay $0x3  }
0x12f: {  	[tilespmem:s16+$0xAB80] =	vst v1  }
0x130: {  	p0 =	sne.s32 s14, $0xF0;
	v0 =	vld.idx.msk [tilespmem:v0+s6+$0x0], $0xffff  }
.Ltmp0:
0x131: {  	_ = 	snop;
	(pc) =	sbr.rel @p0 .LBB3_2-.Ltmp0, $2  }
0x132: {  	_ =	sdelay $0x2  }
0x133: {  	s8 =	sadd.s32 $0x80, s8;
	s14 =	sadd.s32 $0x10, s14;
	[tilespmem:s16+$0xB800] =	vst v0  }
0x134: {  	s8 =	simm.s32 $0x4800  }
0x135: {  	[hbm4b:s20+s13] =	stream.linear.scatter [tilespmem:s8], [sflag:$0x3], $0x800, $0x38;
	[tilespmem:$0xC800] =	vst v63  }
0x136: {  	s18 =	sadd.s32 $0x4000, s20;
	s9 =	simm.s32 $0x5800  }
0x137: {  	[hbm4b:s18+s13] =	stream.linear.scatter [tilespmem:s9], [sflag:$0x3], $0x800, $0x38;
	[tilespmem:$0xC800] =	vst v63  }
0x138: {  	s19 =	sadd.s32 $0x8000, s20;
	s22 =	simm.s32 $0x6800  }
0x139: {  	[hbm4b:s19+s13] =	stream.linear.scatter [tilespmem:s22], [sflag:$0x3], $0x800, $0x38;
	[tilespmem:$0xC800] =	vst v63  }
0x13a: {  	s23 =	sadd.s32 $0xC000, s20;
	s24 =	simm.s32 $0x7800  }
0x13b: {  	[hbm4b:s23+s13] =	stream.linear.scatter [tilespmem:s24], [sflag:$0x3], $0x800, $0x38;
	[tilespmem:$0xC800] =	vst v63  }
0x13c: {  	s11 =	sadd.s32 $0x10000, s20;
	s14 =	simm.s32 $0x8800  }
0x13d: {  	[hbm4b:s11+s13] =	stream.linear.scatter [tilespmem:s14], [sflag:$0x3], $0x800, $0x38;
	[tilespmem:$0xC800] =	vst v63  }
0x13e: {  	s16 =	sadd.s32 $0x14000, s20;
	s17 =	simm.s32 $0x9800  }
0x13f: {  	[hbm4b:s16+s13] =	stream.linear.scatter [tilespmem:s17], [sflag:$0x3], $0x800, $0x38;
	[tilespmem:$0xC800] =	vst v63  }
0x140: {  	s18 =	sadd.s32 $0x18000, s20;
	s19 =	simm.s32 $0xA800  }
0x141: {  	[hbm4b:s18+s13] =	stream.linear.scatter [tilespmem:s19], [sflag:$0x3], $0x800, $0x38;
	[tilespmem:$0xC800] =	vst v63  }
0x142: {  	s22 =	sadd.s32 $0x1C000, s20;
	s23 =	simm.s32 $0xB800;
	s24 =	simm.s32 $0x2  }
0x143: {  	[hbm4b:s22+s13] =	stream.linear.scatter [tilespmem:s23], [sflag:$0x3], $0x800, $0x38;
	[tilespmem:$0xC800] =	vst v63  }
0x144: {  	_ =	swait.ge [sflag:s24], $0x1000  }
0x145: {  	[sflag:s24] =	ssyncset.done $0x0  }
0x146: {  	s8 =	simm.s32 $0x100;
	s14 =	simm.s32 $0x800;
	[sflag:s24] =	ssyncadd.s32 $0xFFFFF000  }
.LBB3_4:
0x147: {  	s9 =	sand.u32 $0x70, s8;
	s11 =	sand.u32 $0xC00, s14  }
0x148: {  	s16 =	sor.u32 s9, s11  }
0x149: {  	v0 =	vld [tilespmem:s16+$0x80];
	_ =	sdelay $0x4  }
0x14a: {  	v0 =	vtrunc.f32 v0  }
0x14b: {  	v1 =	vld [tilespmem:s16+$0x0];
	v5 =	vcvt.f32.s32 v0;
	_ =	sdelay $0x4  }
0x14c: {  	s23 =	sand.u32 $0xFFFFFC00, s14;
	[tilespmem:s16+$0x4800] =	vst v1  }
0x14d: {  	s9 =	sadd.s32 s8, s23;
	v1 =	vld.idx.msk [tilespmem:v5+s25+$0x0], $0xffff  }
0x14e: {  	s17 =	sor.u32 s8, s14;
	s24 =	sor.u32 $0x180, s9;
	v3 =	vadd.s32 $0x80, v5  }
0x14f: {  	s18 =	sor.u32 $0x380, s17;
	v6 =	vld [tilespmem:s24+$0x0]  }
0x150: {  	s9 =	sor.u32 $0x1180, s9;
	v7 =	vld [tilespmem:s18+$0x0]  }
0x151: {  	s17 =	sor.u32 $0x1380, s17;
	v2 =	vld [tilespmem:s9+$0x0]  }
0x152: {  	v25 =	vld [tilespmem:s17+$0x0];
	[tilespmem:s16+$0x4880] =	vst v1  }
0x153: {  	v1 =	vld.idx.msk [tilespmem:v3+s25+$0x0], $0xffff  }
0x154: {  	v8 =	vld [tilespmem:s16+$0x100];
	v26 =	vadd.s32 $0x100, v5  }
0x155: {  	v9 =	vld [tilespmem:s16+$0x200]  }
0x156: {  	v10 =	vld [tilespmem:s16+$0x280]  }
0x157: {  	v11 =	vld [tilespmem:s16+$0x300]  }
0x158: {  	v12 =	vld [tilespmem:s16+$0x1000];
	[tilespmem:s16+$0x4900] =	vst v1  }
0x159: {  	v14 =	vld.idx.msk [tilespmem:v26+s25+$0x0], $0xffff  }
0x15a: {  	v13 =	vld [tilespmem:s16+$0x1080];
	v16 =	vadd.s32 $0x180, v5  }
0x15b: {  	v15 =	vld [tilespmem:s16+$0x1100]  }
0x15c: {  	v4 =	vld [tilespmem:s16+$0x1200]  }
0x15d: {  	v27 =	vld [tilespmem:s16+$0x1280]  }
0x15e: {  	v28 =	vld [tilespmem:s16+$0x1300];
	[tilespmem:s24+$0x4800] =	vst v14  }
0x15f: {  	v14 =	vld.idx.msk [tilespmem:v16+s25+$0x0], $0xffff  }
0x160: {  	v29 =	vadd.s32 $0x200, v5;
	_ =	sdelay $0x3  }
0x161: {  	[tilespmem:s16+$0x4A00] =	vst v14  }
0x162: {  	v14 =	vld.idx.msk [tilespmem:v29+s25+$0x0], $0xffff  }
0x163: {  	v30 =	vadd.s32 $0x280, v5;
	_ =	sdelay $0x3  }
0x164: {  	[tilespmem:s16+$0x4A80] =	vst v14  }
0x165: {  	v14 =	vld.idx.msk [tilespmem:v30+s25+$0x0], $0xffff  }
0x166: {  	v31 =	vadd.s32 $0x300, v5;
	_ =	sdelay $0x3  }
0x167: {  	[tilespmem:s16+$0x4B00] =	vst v14  }
0x168: {  	v14 =	vld.idx.msk [tilespmem:v31+s25+$0x0], $0xffff  }
0x169: {  	v32 =	vadd.s32 $0x380, v5;
	_ =	sdelay $0x3  }
0x16a: {  	[tilespmem:s18+$0x4800] =	vst v14  }
0x16b: {  	v14 =	vld.idx.msk [tilespmem:v32+s25+$0x0], $0xffff  }
0x16c: {  	v33 =	vadd.s32 $0x400, v5;
	_ =	sdelay $0x3  }
0x16d: {  	[tilespmem:s16+$0x5800] =	vst v14  }
0x16e: {  	v14 =	vld.idx.msk [tilespmem:v33+s25+$0x0], $0xffff  }
0x16f: {  	v5 =	vadd.s32 $0x480, v5;
	_ =	sdelay $0x3  }
0x170: {  	v8 =	vtrunc.f32 v8;
	[tilespmem:s16+$0x5880] =	vst v14  }
0x171: {  	v8 =	vcvt.f32.s32 v8;
	v5 =	vld.idx.msk [tilespmem:v5+s25+$0x0], $0xffff;
	_ =	sdelay $0x4  }
0x172: {  	[tilespmem:s16+$0x5900] =	vst v5  }
0x173: {  	v5 =	vld.idx.msk [tilespmem:v8+s26+$0x0], $0xffff  }
0x174: {  	v34 =	vadd.s32 $0x80, v8;
	_ =	sdelay $0x3  }
0x175: {  	[tilespmem:s9+$0x4800] =	vst v5  }
0x176: {  	v5 =	vld.idx.msk [tilespmem:v34+s26+$0x0], $0xffff  }
0x177: {  	v8 =	vadd.s32 $0x100, v8;
	_ =	sdelay $0x3  }
0x178: {  	v6 =	vtrunc.f32 v6;
	[tilespmem:s16+$0x5A00] =	vst v5  }
0x179: {  	v35 =	vcvt.f32.s32 v6;
	v36 =	vld.idx.msk [tilespmem:v8+s26+$0x0], $0xffff;
	_ =	sdelay $0x4  }
0x17a: {  	[tilespmem:s16+$0x5A80] =	vst v36  }
0x17b: {  	v6 =	vld.idx.msk [tilespmem:v35+s28+$0x0], $0xffff  }
0x17c: {  	v37 =	vadd.s32 $0x80, v35;
	_ =	sdelay $0x3  }
0x17d: {  	[tilespmem:s16+$0x5B00] =	vst v6  }
0x17e: {  	v6 =	vld.idx.msk [tilespmem:v37+s28+$0x0], $0xffff  }
0x17f: {  	v38 =	vadd.s32 $0x100, v35;
	_ =	sdelay $0x3  }
0x180: {  	[tilespmem:s17+$0x4800] =	vst v6  }
0x181: {  	v6 =	vld.idx.msk [tilespmem:v38+s28+$0x0], $0xffff  }
0x182: {  	v39 =	vadd.s32 $0x180, v35;
	_ =	sdelay $0x3  }
0x183: {  	[tilespmem:s16+$0x6800] =	vst v6  }
0x184: {  	v6 =	vld.idx.msk [tilespmem:v39+s28+$0x0], $0xffff  }
0x185: {  	v40 =	vadd.s32 $0x200, v35;
	_ =	sdelay $0x3  }
0x186: {  	[tilespmem:s16+$0x6880] =	vst v6  }
0x187: {  	v6 =	vld.idx.msk [tilespmem:v40+s28+$0x0], $0xffff  }
0x188: {  	v41 =	vadd.s32 $0x280, v35;
	_ =	sdelay $0x3  }
0x189: {  	[tilespmem:s16+$0x6900] =	vst v6  }
0x18a: {  	v6 =	vld.idx.msk [tilespmem:v41+s28+$0x0], $0xffff  }
0x18b: {  	v42 =	vadd.s32 $0x300, v35;
	_ =	sdelay $0x3  }
0x18c: {  	[tilespmem:s16+$0x6980] =	vst v6  }
0x18d: {  	v6 =	vld.idx.msk [tilespmem:v42+s28+$0x0], $0xffff  }
0x18e: {  	v43 =	vadd.s32 $0x380, v35;
	_ =	sdelay $0x3  }
0x18f: {  	[tilespmem:s16+$0x6A00] =	vst v6  }
0x190: {  	v6 =	vld.idx.msk [tilespmem:v43+s28+$0x0], $0xffff  }
0x191: {  	v5 =	vadd.s32 $0x400, v35;
	_ =	sdelay $0x3  }
0x192: {  	v44 =	vtrunc.f32 v9;
	[tilespmem:s16+$0x6A80] =	vst v6  }
0x193: {  	v45 =	vcvt.f32.s32 v44;
	v5 =	vld.idx.msk [tilespmem:v5+s28+$0x0], $0xffff;
	_ =	sdelay $0x4  }
0x194: {  	[tilespmem:s16+$0x6B00] =	vst v5  }
0x195: {  	v5 =	vld.idx.msk [tilespmem:v45+s29+$0x0], $0xffff  }
0x196: {  	v8 =	vadd.s32 $0x80, v45;
	_ =	sdelay $0x3  }
0x197: {  	[tilespmem:s16+$0x6B80] =	vst v5  }
0x198: {  	v5 =	vld.idx.msk [tilespmem:v8+s29+$0x0], $0xffff  }
0x199: {  	v6 =	vadd.s32 $0x100, v45;
	_ =	sdelay $0x3  }
0x19a: {  	v46 =	vtrunc.f32 v10;
	[tilespmem:s16+$0x7800] =	vst v5  }
0x19b: {  	v47 =	vcvt.f32.s32 v46;
	v6 =	vld.idx.msk [tilespmem:v6+s29+$0x0], $0xffff;
	_ =	sdelay $0x4  }
0x19c: {  	[tilespmem:s16+$0x7880] =	vst v6  }
0x19d: {  	v6 =	vld.idx.msk [tilespmem:v47+s30+$0x0], $0xffff  }
0x19e: {  	v8 =	vadd.s32 $0x80, v47;
	_ =	sdelay $0x3  }
0x19f: {  	[tilespmem:s16+$0x7900] =	vst v6  }
0x1a0: {  	v6 =	vld.idx.msk [tilespmem:v8+s30+$0x0], $0xffff  }
0x1a1: {  	v48 =	vadd.s32 $0x100, v47;
	_ =	sdelay $0x3  }
0x1a2: {  	[tilespmem:s16+$0x7980] =	vst v6  }
0x1a3: {  	v6 =	vld.idx.msk [tilespmem:v48+s30+$0x0], $0xffff  }
0x1a4: {  	v49 =	vadd.s32 $0x180, v47;
	_ =	sdelay $0x3  }
0x1a5: {  	[tilespmem:s16+$0x7A00] =	vst v6  }
0x1a6: {  	v6 =	vld.idx.msk [tilespmem:v49+s30+$0x0], $0xffff  }
0x1a7: {  	v5 =	vadd.s32 $0x200, v47;
	_ =	sdelay $0x3  }
0x1a8: {  	v50 =	vtrunc.f32 v11;
	[tilespmem:s16+$0x7A80] =	vst v6  }
0x1a9: {  	v51 =	vcvt.f32.s32 v50;
	v5 =	vld.idx.msk [tilespmem:v5+s30+$0x0], $0xffff;
	_ =	sdelay $0x4  }
0x1aa: {  	[tilespmem:s16+$0x7B00] =	vst v5  }
0x1ab: {  	v5 =	vld.idx.msk [tilespmem:v51+s31+$0x0], $0xffff  }
0x1ac: {  	v8 =	vadd.s32 $0x80, v51;
	_ =	sdelay $0x3  }
0x1ad: {  	[tilespmem:s16+$0x7B80] =	vst v5  }
0x1ae: {  	v5 =	vld.idx.msk [tilespmem:v8+s31+$0x0], $0xffff  }
0x1af: {  	v6 =	vadd.s32 $0x100, v51;
	_ =	sdelay $0x3  }
0x1b0: {  	v7 =	vtrunc.f32 v7;
	[tilespmem:s16+$0x8800] =	vst v5  }
0x1b1: {  	v52 =	vcvt.f32.s32 v7;
	v6 =	vld.idx.msk [tilespmem:v6+s31+$0x0], $0xffff;
	_ =	sdelay $0x4  }
0x1b2: {  	[tilespmem:s16+$0x8880] =	vst v6  }
0x1b3: {  	v6 =	vld.idx.msk [tilespmem:v52+s15+$0x0], $0xffff  }
0x1b4: {  	v5 =	vadd.s32 $0x80, v52;
	_ =	sdelay $0x3  }
0x1b5: {  	v53 =	vtrunc.f32 v12;
	[tilespmem:s16+$0x8900] =	vst v6  }
0x1b6: {  	v54 =	vcvt.f32.s32 v53;
	v5 =	vld.idx.msk [tilespmem:v5+s15+$0x0], $0xffff;
	_ =	sdelay $0x4  }
0x1b7: {  	[tilespmem:s16+$0x8980] =	vst v5  }
0x1b8: {  	v5 =	vld.idx.msk [tilespmem:v54+s12+$0x0], $0xffff  }
0x1b9: {  	v7 =	vadd.s32 $0x80, v54;
	_ =	sdelay $0x3  }
0x1ba: {  	[tilespmem:s16+$0x8A00] =	vst v5  }
0x1bb: {  	v5 =	vld.idx.msk [tilespmem:v7+s12+$0x0], $0xffff  }
0x1bc: {  	v6 =	vadd.s32 $0x100, v54;
	_ =	sdelay $0x3  }
0x1bd: {  	v55 =	vtrunc.f32 v13;
	[tilespmem:s16+$0x8A80] =	vst v5  }
0x1be: {  	v56 =	vcvt.f32.s32 v55;
	v6 =	vld.idx.msk [tilespmem:v6+s12+$0x0], $0xffff;
	_ =	sdelay $0x4  }
0x1bf: {  	[tilespmem:s16+$0x8B00] =	vst v6  }
0x1c0: {  	v6 =	vld.idx.msk [tilespmem:v56+s0+$0x0], $0xffff  }
0x1c1: {  	v7 =	vadd.s32 $0x80, v56;
	_ =	sdelay $0x3  }
0x1c2: {  	[tilespmem:s16+$0x8B80] =	vst v6  }
0x1c3: {  	v6 =	vld.idx.msk [tilespmem:v7+s0+$0x0], $0xffff  }
0x1c4: {  	v5 =	vadd.s32 $0x100, v56;
	_ =	sdelay $0x3  }
0x1c5: {  	v57 =	vtrunc.f32 v15;
	[tilespmem:s16+$0x9800] =	vst v6  }
0x1c6: {  	v58 =	vcvt.f32.s32 v57;
	v5 =	vld.idx.msk [tilespmem:v5+s0+$0x0], $0xffff;
	_ =	sdelay $0x4  }
0x1c7: {  	[tilespmem:s16+$0x9880] =	vst v5  }
0x1c8: {  	v5 =	vld.idx.msk [tilespmem:v58+s1+$0x0], $0xffff  }
0x1c9: {  	v6 =	vadd.s32 $0x80, v58;
	_ =	sdelay $0x3  }
0x1ca: {  	v2 =	vtrunc.f32 v2;
	[tilespmem:s16+$0x9900] =	vst v5  }
0x1cb: {  	v2 =	vcvt.f32.s32 v2;
	v5 =	vld.idx.msk [tilespmem:v6+s1+$0x0], $0xffff;
	_ =	sdelay $0x4  }
0x1cc: {  	[tilespmem:s16+$0x9980] =	vst v5  }
0x1cd: {  	v5 =	vld.idx.msk [tilespmem:v2+s2+$0x0], $0xffff  }
0x1ce: {  	v2 =	vadd.s32 $0x80, v2;
	_ =	sdelay $0x3  }
0x1cf: {  	v4 =	vtrunc.f32 v4;
	[tilespmem:s16+$0x9A00] =	vst v5  }
0x1d0: {  	v4 =	vcvt.f32.s32 v4;
	v2 =	vld.idx.msk [tilespmem:v2+s2+$0x0], $0xffff;
	_ =	sdelay $0x4  }
0x1d1: {  	[tilespmem:s16+$0x9A80] =	vst v2  }
0x1d2: {  	v2 =	vld.idx.msk [tilespmem:v4+s3+$0x0], $0xffff  }
0x1d3: {  	v4 =	vadd.s32 $0x80, v4;
	_ =	sdelay $0x3  }
0x1d4: {  	v3 =	vtrunc.f32 v27;
	[tilespmem:s16+$0x9B00] =	vst v2  }
0x1d5: {  	v59 =	vcvt.f32.s32 v3;
	v60 =	vld.idx.msk [tilespmem:v4+s3+$0x0], $0xffff;
	_ =	sdelay $0x4  }
0x1d6: {  	[tilespmem:s16+$0x9B80] =	vst v60  }
0x1d7: {  	v3 =	vld.idx.msk [tilespmem:v59+s4+$0x0], $0xffff  }
0x1d8: {  	v2 =	vadd.s32 $0x80, v59;
	_ =	sdelay $0x3  }
0x1d9: {  	v1 =	vtrunc.f32 v28;
	[tilespmem:s16+$0xA800] =	vst v3  }
0x1da: {  	v1 =	vcvt.f32.s32 v1;
	v2 =	vld.idx.msk [tilespmem:v2+s4+$0x0], $0xffff;
	_ =	sdelay $0x4  }
0x1db: {  	[tilespmem:s16+$0xA880] =	vst v2  }
0x1dc: {  	v2 =	vld.idx.msk [tilespmem:v1+s5+$0x0], $0xffff  }
0x1dd: {  	v1 =	vadd.s32 $0x80, v1;
	_ =	sdelay $0x3  }
0x1de: {  	v0 =	vtrunc.f32 v25;
	[tilespmem:s16+$0xA900] =	vst v2  }
0x1df: {  	v0 =	vcvt.f32.s32 v0;
	v1 =	vld.idx.msk [tilespmem:v1+s5+$0x0], $0xffff;
	_ =	sdelay $0x4  }
0x1e0: {  	[tilespmem:s16+$0xA980] =	vst v1  }
0x1e1: {  	v1 =	vld.idx.msk [tilespmem:v0+s6+$0x0], $0xffff  }
0x1e2: {  	v61 =	vadd.s32 $0x80, v0;
	_ =	sdelay $0x3  }
0x1e3: {  	[tilespmem:s16+$0xAA00] =	vst v1  }
0x1e4: {  	v1 =	vld.idx.msk [tilespmem:v61+s6+$0x0], $0xffff  }
0x1e5: {  	v62 =	vadd.s32 $0x100, v0;
	_ =	sdelay $0x3  }
0x1e6: {  	[tilespmem:s16+$0xAA80] =	vst v1  }
0x1e7: {  	v1 =	vld.idx.msk [tilespmem:v62+s6+$0x0], $0xffff  }
0x1e8: {  	v63 =	vadd.s32 $0x180, v0;
	_ =	sdelay $0x3  }
0x1e9: {  	[tilespmem:s16+$0xAB00] =	vst v1  }
0x1ea: {  	v1 =	vld.idx.msk [tilespmem:v63+s6+$0x0], $0xffff  }
0x1eb: {  	v0 =	vadd.s32 $0x200, v0;
	_ =	sdelay $0x3  }
0x1ec: {  	[tilespmem:s16+$0xAB80] =	vst v1  }
0x1ed: {  	p0 =	sne.s32 s8, $0x1F0;
	v0 =	vld.idx.msk [tilespmem:v0+s6+$0x0], $0xffff  }
.Ltmp1:
0x1ee: {  	_ = 	snop;
	(pc) =	sbr.rel @p0 .LBB3_4-.Ltmp1, $2  }
0x1ef: {  	_ =	sdelay $0x2  }
0x1f0: {  	s14 =	sadd.s32 $0x80, s14;
	s8 =	sadd.s32 $0x10, s8;
	[tilespmem:s16+$0xB800] =	vst v0  }
0x1f1: {  	s8 =	simm.s32 $0x5000  }
0x1f2: {  	[hbm4b:s21+s13] =	stream.linear.scatter [tilespmem:s8], [sflag:$0x3], $0x800, $0x38;
	[tilespmem:$0xC800] =	vst v63  }
0x1f3: {  	s18 =	sadd.s32 $0x4000, s21;
	s9 =	simm.s32 $0x6000  }
0x1f4: {  	[hbm4b:s18+s13] =	stream.linear.scatter [tilespmem:s9], [sflag:$0x3], $0x800, $0x38;
	[tilespmem:$0xC800] =	vst v63  }
0x1f5: {  	s19 =	sadd.s32 $0x8000, s21;
	s22 =	simm.s32 $0x7000  }
0x1f6: {  	[hbm4b:s19+s13] =	stream.linear.scatter [tilespmem:s22], [sflag:$0x3], $0x800, $0x38;
	[tilespmem:$0xC800] =	vst v63  }
0x1f7: {  	s23 =	sadd.s32 $0xC000, s21;
	s24 =	simm.s32 $0x8000  }
0x1f8: {  	[hbm4b:s23+s13] =	stream.linear.scatter [tilespmem:s24], [sflag:$0x3], $0x800, $0x38;
	[tilespmem:$0xC800] =	vst v63  }
0x1f9: {  	s11 =	simm.s32 $0x9000;
	s9 =	sadd.s32 $0x10000, s21  }
0x1fa: {  	[hbm4b:s9+s13] =	stream.linear.scatter [tilespmem:s11], [sflag:$0x3], $0x800, $0x38;
	[tilespmem:$0xC800] =	vst v63  }
0x1fb: {  	s14 =	sadd.s32 $0x14000, s21;
	s16 =	simm.s32 $0xA000  }
0x1fc: {  	[hbm4b:s14+s13] =	stream.linear.scatter [tilespmem:s16], [sflag:$0x3], $0x800, $0x38;
	[tilespmem:$0xC800] =	vst v63  }
0x1fd: {  	s17 =	sadd.s32 $0x18000, s21;
	s18 =	simm.s32 $0xB000  }
0x1fe: {  	[hbm4b:s17+s13] =	stream.linear.scatter [tilespmem:s18], [sflag:$0x3], $0x800, $0x38;
	[tilespmem:$0xC800] =	vst v63  }
0x1ff: {  	s19 =	sadd.s32 $0x1C000, s21;
	s22 =	simm.s32 $0xC000;
	s23 =	simm.s32 $0x3  }
0x200: {  	[hbm4b:s19+s13] =	stream.linear.scatter [tilespmem:s22], [sflag:$0x3], $0x800, $0x38;
	[tilespmem:$0xC800] =	vst v63  }
0x201: {  	_ =	swait.ge [sflag:s23], $0x4000  }
0x202: {  	[sflag:s23] =	ssyncset.done $0x0  }
0x203: {  	[sflag:s23] =	ssyncadd.s32 $0xFFFFC000  }
0x204: {  	_ =	swait.ge [sflag:s23], $0x4000  }
0x205: {  	s7 =	sadd.s32 $0x1, s7;
	s24 =	rddreg [dreg:$0x14]  }
0x206: {  	p0 =	sne.s32 s7, s24  }
.Ltmp2:
0x207: {  	_ = 	snop;
	(pc) =	sbr.rel @p0 .LBB3_1-.Ltmp2, $3  }
0x208: {  	_ =	sdelay $0x1  }
0x209: {  	[sflag:s23] =	ssyncset.done $0x0  }
0x20a: {  	[sflag:s23] =	ssyncadd.s32 $0xFFFFC000  }
0x20b: {  	_ =	sfence.sel $0x180000  }
0x20c: {  	[bflag:$0x0] =	sbarrier.arrive $0xFFFF  }
0x20d: {  	_ =	strace $0x90000047  }
0x20e: {  	s0 =	stileid.u32;
	[bflag:$0x2] =	sbarrier.arrive $0xFFFF  }
0x20f: {  	p0 =	sne.s32 s0, $0x0;
	s0 =	rddreg [dreg:$0xe]  }
0x210: {  	s0 =	sadd.s32 @!p0 $0x100000, s0  }
0x211: {  	[sflag:s0] =	ssyncadd.tile.s32 @!p0 $0x1;
	_ =	shalt  }
.Lfunc_end3:
_tile_overlayer_lowered:
.L_overlay_start_3:
0x212: {  	(tag) =	ssettag $0x3  }
0x213: {  	s0 =	rddreg [dreg:$0x0];
	s2 =	stileid.u32  }
0x214: {  	s1 =	rddreg [dreg:$0x1];
	p0 =	sne.s32 s2, $0x0  }
0x215: {  	s3 =	rddreg [dreg:$0x2];
	[bflag:$0x3] =	sbarrier.arrive $0xFFFF;
	s2 =	simm.s32 @!p0 $0x1C04  }
0x216: {  	[timem:s3], [sflag:s2] =	dma.local @!p0 [hbm:s0], s1  }
0x217: {  	s0 =	simm.s32 @!p0 $0x4  }
0x218: {  	_ =	swait.ge @!p0 [sflag:s0], s1  }
0x219: {  	s1 =	ssub.s32 @!p0 $0x0, s1;
	[sflag:s0] =	ssyncset.done @!p0 $0x0  }
0x21a: {  	[sflag:s0] =	ssyncadd.s32 @!p0 s1  }
0x21b: {  	[bflag:$0x3] =	sbarrier.arrive $0xFFFF  }
0x21c: {  	_ =	shalt  }

</sc_bundles>
